<compile_context>
chip_gen: v7x
topology: tpu7x:2x2x1
jax: 0.10.2.dev20260603
libtpu: 0.0.44.dev20260713+nightly
codegen_flags: <defaults>
</compile_context>

<pallas_src>
import functools

import jax
import jax.numpy as jnp
from jax import lax
from jax.experimental import pallas as pl
from jax.experimental.pallas import tpu as pltpu
from jax.experimental.pallas import tpu_sc as plsc

_NC = 2
_NS = 16
_NW = _NC * _NS
_L = 16


@functools.lru_cache(maxsize=None)
def _make_hist_kernel(E, NPAD, RH):
    epw = E // _NW
    TBL = RH * NPAD
    mesh = plsc.VectorSubcoreMesh(
        core_axis_name="c", subcore_axis_name="s", num_cores=_NC
    )

    @functools.partial(
        pl.kernel,
        out_type=jax.ShapeDtypeStruct((_NW, TBL), jnp.int32),
        mesh=mesh,
        compiler_params=pltpu.CompilerParams(needs_layout_passes=False),
        scratch_types=[
            pltpu.VMEM((epw,), jnp.int32),
            pltpu.VMEM((epw,), jnp.int32),
            pltpu.VMEM((TBL,), jnp.int32),
            pltpu.SemaphoreType.DMA,
        ],
    )
    def hist(ei_hbm, typ_hbm, out_hbm, src_v, typ_v, tbl_v, sem):
        cid = lax.axis_index("c")
        sid = lax.axis_index("s")
        wid = sid * _NC + cid
        base = wid * epw
        cp1 = pltpu.async_copy(ei_hbm.at[pl.ds(base, epw)], src_v, sem)
        cp2 = pltpu.async_copy(typ_hbm.at[pl.ds(base, epw)], typ_v, sem)

        zero = jnp.zeros((_L,), jnp.int32)
        ZU = 16

        def zero_body(i, carry):
            for j in range(ZU):
                tbl_v[pl.ds((i * ZU + j) * _L, _L)] = zero
            return carry

        lax.fori_loop(0, TBL // (_L * ZU), zero_body, 0)

        cp1.wait()
        cp2.wait()

        EU = 25

        def edge_body(i, carry):
            for j in range(EU):
                off = (i * EU + j) * _L
                s = src_v[pl.ds(off, _L)]
                t = typ_v[pl.ds(off, _L)]
                idx = (t >> 1) * NPAD + s
                odd = t & 1
                plsc.addupdate_scatter(tbl_v, [idx], (odd << 16) + (1 - odd))
            return carry

        lax.fori_loop(0, epw // (_L * EU), edge_body, 0)
        pltpu.sync_copy(tbl_v, out_hbm.at[wid])

    return hist


@functools.lru_cache(maxsize=None)
def _make_combine_kernel(N, NPAD, D, R):
    RP = 8

    def body(p_ref, x_ref, w_ref, wl_ref, b_ref, o_ref):
        p = p_ref[...]
        low = jnp.sum(p & 0xFFFF, axis=0)
        high = jnp.sum(p >> 16, axis=0)
        rows = []
        for j in range(R // 2):
            rows.append(low[j : j + 1])
            rows.append(high[j : j + 1])
        rows.append(jnp.zeros((RP - R, NPAD), jnp.int32))
        cc = jnp.concatenate(rows, axis=0)[:, :N].astype(jnp.float32)
        s = jnp.dot(cc, x_ref[...], precision=lax.Precision.DEFAULT)
        xsum = jnp.sum(x_ref[...], axis=0, keepdims=True)
        row = lax.broadcasted_iota(jnp.int32, (RP, D), 0)
        s = s + jnp.where(row == R, xsum, 0.0)
        g = jnp.zeros((RP, D), jnp.float32)
        for k in range(R):
            sk = jnp.where(row == k, s, 0.0)
            g = g + jnp.dot(sk, w_ref[k], precision=lax.Precision.DEFAULT)
        sl = jnp.where(row == R, s, 0.0)
        g = g + jnp.dot(sl, wl_ref[...], precision=lax.Precision.DEFAULT)
        out = jnp.sum(g, axis=0, keepdims=True) * (1.0 / N) + b_ref[...]
        o_ref[...] = out

    return pl.pallas_call(
        body,
        out_shape=jax.ShapeDtypeStruct((1, D), jnp.float32),
    )


def kernel(x, edge_index, edge_type, W, W_loop, bias):
    N, D = x.shape
    R = W.shape[0]
    E = edge_type.shape[0]
    NPAD = ((N + 127) // 128) * 128
    RH = R // 2

    ei_flat = edge_index.reshape(2 * E)
    hist = _make_hist_kernel(E, NPAD, RH)
    partials = hist(ei_flat, edge_type)
    partials = partials.reshape(_NW, RH, NPAD)

    combine = _make_combine_kernel(N, NPAD, D, R)
    return combine(partials, x, W, W_loop, bias[None])

# --- scband reference (transcript-rebuilt; emitter-appended) ---
"""Pipeline reference for scband-rgcn-17471926960529 (READ-ONLY COPY).

The authoritative reference and input builder live on the scoring server;
editing this copy changes nothing except your own understanding.
"""

import jax, jax.numpy as jnp
import numpy as np

N = 10000
E = 320000
D = 128
R = 4

def setup_inputs(seed: int = 0) -> dict:
    key = jax.random.key(seed)
    ks = jax.random.split(key, 6)
    x = jax.random.normal(ks[0], (N, D), dtype=jnp.float32)
    edge_index = jax.random.randint(ks[1], (2, E), 0, N, dtype=jnp.int32)
    edge_type = jax.random.randint(ks[2], (E,), 0, R, dtype=jnp.int32)
    # Learned parameters of the single RelGraphConv layer (num_layers=1 => i2h only,
    # no activation). Glorot-ish init.
    W = jax.random.normal(ks[3], (R, D, D), dtype=jnp.float32) * (1.0 / np.sqrt(D))
    W_loop = jax.random.normal(ks[4], (D, D), dtype=jnp.float32) * (1.0 / np.sqrt(D))
    bias = jnp.zeros((D,), dtype=jnp.float32)
    return {"x": x, "edge_index": edge_index, "edge_type": edge_type,
            "W": W, "W_loop": W_loop, "bias": bias}


def relgraphconv(x, edge_index, edge_type, W, W_loop, bias):
    # DGL RelGraphConv semantics (regularizer=None, norm=None, self_loop=True, bias=True):
    #   m_e = W_{etype(e)} @ h_{src(e)}
    #   agg_v = sum_{e: dst(e)=v} m_e
    #   h'_v = agg_v + h_v @ W_loop + bias
    src = edge_index[0]
    dst = edge_index[1]
    # Project every node by every relation weight, then gather per-edge message.
    # (Mathematically identical to per-edge W_{etype} h_src, avoids materializing [E,D,D].)
    h_all = jnp.einsum('nd,rdo->rno', x, W)        # [R, N, D_out]
    msg = h_all[edge_type, src]                     # gather -> [E, D_out]
    agg = jnp.zeros((x.shape[0], W.shape[2]), dtype=x.dtype).at[dst].add(msg)  # scatter-add
    h = agg + x @ W_loop + bias
    return h  # num_layers == 1 -> activation is None


def reference(x, edge_index, edge_type, W, W_loop, bias):
    h = relgraphconv(x, edge_index, edge_type, W, W_loop, bias)
    # AvgPooling over a single batched graph -> [1, D_out]
    return jnp.mean(h, axis=0, keepdims=True)

if __name__ == "__main__":
    import jax
    _d = setup_inputs()
    print(jax.jit(kernel)(*tuple(_d.values())))

</pallas_src>

<mosaic_0001>
#map = affine_map<(d0, d1) -> (0)>
#map1 = affine_map<(d0, d1) -> (0, 0)>
module attributes {stable_mosaic.version = 14 : i64} {
  func.func @hist(%arg0: i32, %arg1: i32, %arg2: memref<640000xi32, #tpu.memory_space<hbm>>, %arg3: memref<320000xi32, #tpu.memory_space<hbm>>, %arg4: memref<32x20224xi32, #tpu.memory_space<hbm>>, %arg5: memref<10000xi32, #tpu.memory_space<vmem>>, %arg6: memref<10000xi32, #tpu.memory_space<vmem>>, %arg7: memref<20224xi32, #tpu.memory_space<vmem>>, %arg8: memref<!tpu.dma_semaphore, #tpu.memory_space<semaphore_mem>>) attributes {dimension_semantics = [#tpu.dimension_semantics<core_parallel>, #tpu.dimension_semantics<subcore_parallel>], iteration_bounds = array<i64: 2, 16>, scalar_prefetch = 0 : i64, scratch_operands = 4 : i64, tpu.core_type = #tpu.core_type<sc_vector_subcore>, window_params = [{transform_indices = #map}, {transform_indices = #map}, {transform_indices = #map1}]} {
    %mul3A = arith.constant 2 : i32
    %mul3A_0 = arith.muli %arg1, %mul3A : i32
    %add3A = arith.addi %mul3A_0, %arg0 : i32
    %mul3A_1 = arith.constant 10000 : i32
    %mul3A_2 = arith.muli %add3A, %mul3A_1 : i32
    %dma_start3A = tpu.memref_slice %arg2[%mul3A_2] : memref<640000xi32, #tpu.memory_space<hbm>> -> memref<10000xi32, #tpu.memory_space<hbm>>
    %dma_start3A_3 = tpu.memref_slice %arg2[%mul3A_2] : memref<640000xi32, #tpu.memory_space<hbm>> -> memref<10000xi32, #tpu.memory_space<hbm>>
    tpu.enqueue_dma source(%dma_start3A_3 : memref<10000xi32, #tpu.memory_space<hbm>>) target(%arg5 : memref<10000xi32, #tpu.memory_space<vmem>>) target_semaphore(%arg8 : memref<!tpu.dma_semaphore, #tpu.memory_space<semaphore_mem>>)
    %dma_start3A_4 = tpu.memref_slice %arg3[%mul3A_2] : memref<320000xi32, #tpu.memory_space<hbm>> -> memref<10000xi32, #tpu.memory_space<hbm>>
    %dma_start3A_5 = tpu.memref_slice %arg3[%mul3A_2] : memref<320000xi32, #tpu.memory_space<hbm>> -> memref<10000xi32, #tpu.memory_space<hbm>>
    tpu.enqueue_dma source(%dma_start3A_5 : memref<10000xi32, #tpu.memory_space<hbm>>) target(%arg6 : memref<10000xi32, #tpu.memory_space<vmem>>) target_semaphore(%arg8 : memref<!tpu.dma_semaphore, #tpu.memory_space<semaphore_mem>>)
    %broadcast_in_dim3A = arith.constant 0 : i32
    %broadcast_in_dim3A_6 = vector.broadcast %broadcast_in_dim3A : i32 to vector<16xi32>
    %scan3A = arith.constant 0 : i32
    %scan3A_7 = arith.constant 0 : i32
    %scan3A_8 = arith.constant 79 : i32
    %scan3A_9 = arith.addi %scan3A_7, %scan3A_8 : i32
    %scan3A_10 = arith.constant 1 : i32
    scf.for %scan3A_21 = %scan3A_7 to %scan3A_9 step %scan3A_10  : i32 {
      %mul3A_22 = arith.constant 16 : i32
      %mul3A_23 = arith.muli %scan3A_21, %mul3A_22 : i32
      %add3A_24 = arith.constant 0 : i32
      %add3A_25 = arith.addi %mul3A_23, %add3A_24 : i32
      %mul3A_26 = arith.constant 16 : i32
      %mul3A_27 = arith.muli %add3A_25, %mul3A_26 : i32
      %swap3A = arith.index_cast %mul3A_27 : i32 to index
      %swap3A_28 = tpu.vector_load %arg7[%swap3A] {strides = array<i32>} : memref<20224xi32, #tpu.memory_space<vmem>>, vector<16xi32>,
      tpu.vector_store %arg7[%swap3A], %broadcast_in_dim3A_6 {strides = array<i32>} : memref<20224xi32, #tpu.memory_space<vmem>>, vector<16xi32>,
      %mul3A_29 = arith.constant 16 : i32
      %mul3A_30 = arith.muli %scan3A_21, %mul3A_29 : i32
      %add3A_31 = arith.constant 1 : i32
      %add3A_32 = arith.addi %mul3A_30, %add3A_31 : i32
      %mul3A_33 = arith.constant 16 : i32
      %mul3A_34 = arith.muli %add3A_32, %mul3A_33 : i32
      %swap3A_35 = arith.index_cast %mul3A_34 : i32 to index
      %swap3A_36 = tpu.vector_load %arg7[%swap3A_35] {strides = array<i32>} : memref<20224xi32, #tpu.memory_space<vmem>>, vector<16xi32>,
      tpu.vector_store %arg7[%swap3A_35], %broadcast_in_dim3A_6 {strides = array<i32>} : memref<20224xi32, #tpu.memory_space<vmem>>, vector<16xi32>,
      %mul3A_37 = arith.constant 16 : i32
      %mul3A_38 = arith.muli %scan3A_21, %mul3A_37 : i32
      %add3A_39 = arith.constant 2 : i32
      %add3A_40 = arith.addi %mul3A_38, %add3A_39 : i32
      %mul3A_41 = arith.constant 16 : i32
      %mul3A_42 = arith.muli %add3A_40, %mul3A_41 : i32
      %swap3A_43 = arith.index_cast %mul3A_42 : i32 to index
      %swap3A_44 = tpu.vector_load %arg7[%swap3A_43] {strides = array<i32>} : memref<20224xi32, #tpu.memory_space<vmem>>, vector<16xi32>,
      tpu.vector_store %arg7[%swap3A_43], %broadcast_in_dim3A_6 {strides = array<i32>} : memref<20224xi32, #tpu.memory_space<vmem>>, vector<16xi32>,
      %mul3A_45 = arith.constant 16 : i32
      %mul3A_46 = arith.muli %scan3A_21, %mul3A_45 : i32
      %add3A_47 = arith.constant 3 : i32
      %add3A_48 = arith.addi %mul3A_46, %add3A_47 : i32
      %mul3A_49 = arith.constant 16 : i32
      %mul3A_50 = arith.muli %add3A_48, %mul3A_49 : i32
      %swap3A_51 = arith.index_cast %mul3A_50 : i32 to index
      %swap3A_52 = tpu.vector_load %arg7[%swap3A_51] {strides = array<i32>} : memref<20224xi32, #tpu.memory_space<vmem>>, vector<16xi32>,
      tpu.vector_store %arg7[%swap3A_51], %broadcast_in_dim3A_6 {strides = array<i32>} : memref<20224xi32, #tpu.memory_space<vmem>>, vector<16xi32>,
      %mul3A_53 = arith.constant 16 : i32
      %mul3A_54 = arith.muli %scan3A_21, %mul3A_53 : i32
      %add3A_55 = arith.constant 4 : i32
      %add3A_56 = arith.addi %mul3A_54, %add3A_55 : i32
      %mul3A_57 = arith.constant 16 : i32
      %mul3A_58 = arith.muli %add3A_56, %mul3A_57 : i32
      %swap3A_59 = arith.index_cast %mul3A_58 : i32 to index
      %swap3A_60 = tpu.vector_load %arg7[%swap3A_59] {strides = array<i32>} : memref<20224xi32, #tpu.memory_space<vmem>>, vector<16xi32>,
      tpu.vector_store %arg7[%swap3A_59], %broadcast_in_dim3A_6 {strides = array<i32>} : memref<20224xi32, #tpu.memory_space<vmem>>, vector<16xi32>,
      %mul3A_61 = arith.constant 16 : i32
      %mul3A_62 = arith.muli %scan3A_21, %mul3A_61 : i32
      %add3A_63 = arith.constant 5 : i32
      %add3A_64 = arith.addi %mul3A_62, %add3A_63 : i32
      %mul3A_65 = arith.constant 16 : i32
      %mul3A_66 = arith.muli %add3A_64, %mul3A_65 : i32
      %swap3A_67 = arith.index_cast %mul3A_66 : i32 to index
      %swap3A_68 = tpu.vector_load %arg7[%swap3A_67] {strides = array<i32>} : memref<20224xi32, #tpu.memory_space<vmem>>, vector<16xi32>,
      tpu.vector_store %arg7[%swap3A_67], %broadcast_in_dim3A_6 {strides = array<i32>} : memref<20224xi32, #tpu.memory_space<vmem>>, vector<16xi32>,
      %mul3A_69 = arith.constant 16 : i32
      %mul3A_70 = arith.muli %scan3A_21, %mul3A_69 : i32
      %add3A_71 = arith.constant 6 : i32
      %add3A_72 = arith.addi %mul3A_70, %add3A_71 : i32
      %mul3A_73 = arith.constant 16 : i32
      %mul3A_74 = arith.muli %add3A_72, %mul3A_73 : i32
      %swap3A_75 = arith.index_cast %mul3A_74 : i32 to index
      %swap3A_76 = tpu.vector_load %arg7[%swap3A_75] {strides = array<i32>} : memref<20224xi32, #tpu.memory_space<vmem>>, vector<16xi32>,
      tpu.vector_store %arg7[%swap3A_75], %broadcast_in_dim3A_6 {strides = array<i32>} : memref<20224xi32, #tpu.memory_space<vmem>>, vector<16xi32>,
      %mul3A_77 = arith.constant 16 : i32
      %mul3A_78 = arith.muli %scan3A_21, %mul3A_77 : i32
      %add3A_79 = arith.constant 7 : i32
      %add3A_80 = arith.addi %mul3A_78, %add3A_79 : i32
      %mul3A_81 = arith.constant 16 : i32
      %mul3A_82 = arith.muli %add3A_80, %mul3A_81 : i32
      %swap3A_83 = arith.index_cast %mul3A_82 : i32 to index
      %swap3A_84 = tpu.vector_load %arg7[%swap3A_83] {strides = array<i32>} : memref<20224xi32, #tpu.memory_space<vmem>>, vector<16xi32>,
      tpu.vector_store %arg7[%swap3A_83], %broadcast_in_dim3A_6 {strides = array<i32>} : memref<20224xi32, #tpu.memory_space<vmem>>, vector<16xi32>,
      %mul3A_85 = arith.constant 16 : i32
      %mul3A_86 = arith.muli %scan3A_21, %mul3A_85 : i32
      %add3A_87 = arith.constant 8 : i32
      %add3A_88 = arith.addi %mul3A_86, %add3A_87 : i32
      %mul3A_89 = arith.constant 16 : i32
      %mul3A_90 = arith.muli %add3A_88, %mul3A_89 : i32
      %swap3A_91 = arith.index_cast %mul3A_90 : i32 to index
      %swap3A_92 = tpu.vector_load %arg7[%swap3A_91] {strides = array<i32>} : memref<20224xi32, #tpu.memory_space<vmem>>, vector<16xi32>,
      tpu.vector_store %arg7[%swap3A_91], %broadcast_in_dim3A_6 {strides = array<i32>} : memref<20224xi32, #tpu.memory_space<vmem>>, vector<16xi32>,
      %mul3A_93 = arith.constant 16 : i32
      %mul3A_94 = arith.muli %scan3A_21, %mul3A_93 : i32
      %add3A_95 = arith.constant 9 : i32
      %add3A_96 = arith.addi %mul3A_94, %add3A_95 : i32
      %mul3A_97 = arith.constant 16 : i32
      %mul3A_98 = arith.muli %add3A_96, %mul3A_97 : i32
      %swap3A_99 = arith.index_cast %mul3A_98 : i32 to index
      %swap3A_100 = tpu.vector_load %arg7[%swap3A_99] {strides = array<i32>} : memref<20224xi32, #tpu.memory_space<vmem>>, vector<16xi32>,
      tpu.vector_store %arg7[%swap3A_99], %broadcast_in_dim3A_6 {strides = array<i32>} : memref<20224xi32, #tpu.memory_space<vmem>>, vector<16xi32>,
      %mul3A_101 = arith.constant 16 : i32
      %mul3A_102 = arith.muli %scan3A_21, %mul3A_101 : i32
      %add3A_103 = arith.constant 10 : i32
      %add3A_104 = arith.addi %mul3A_102, %add3A_103 : i32
      %mul3A_105 = arith.constant 16 : i32
      %mul3A_106 = arith.muli %add3A_104, %mul3A_105 : i32
      %swap3A_107 = arith.index_cast %mul3A_106 : i32 to index
      %swap3A_108 = tpu.vector_load %arg7[%swap3A_107] {strides = array<i32>} : memref<20224xi32, #tpu.memory_space<vmem>>, vector<16xi32>,
      tpu.vector_store %arg7[%swap3A_107], %broadcast_in_dim3A_6 {strides = array<i32>} : memref<20224xi32, #tpu.memory_space<vmem>>, vector<16xi32>,
      %mul3A_109 = arith.constant 16 : i32
      %mul3A_110 = arith.muli %scan3A_21, %mul3A_109 : i32
      %add3A_111 = arith.constant 11 : i32
      %add3A_112 = arith.addi %mul3A_110, %add3A_111 : i32
      %mul3A_113 = arith.constant 16 : i32
      %mul3A_114 = arith.muli %add3A_112, %mul3A_113 : i32
      %swap3A_115 = arith.index_cast %mul3A_114 : i32 to index
      %swap3A_116 = tpu.vector_load %arg7[%swap3A_115] {strides = array<i32>} : memref<20224xi32, #tpu.memory_space<vmem>>, vector<16xi32>,
      tpu.vector_store %arg7[%swap3A_115], %broadcast_in_dim3A_6 {strides = array<i32>} : memref<20224xi32, #tpu.memory_space<vmem>>, vector<16xi32>,
      %mul3A_117 = arith.constant 16 : i32
      %mul3A_118 = arith.muli %scan3A_21, %mul3A_117 : i32
      %add3A_119 = arith.constant 12 : i32
      %add3A_120 = arith.addi %mul3A_118, %add3A_119 : i32
      %mul3A_121 = arith.constant 16 : i32
      %mul3A_122 = arith.muli %add3A_120, %mul3A_121 : i32
      %swap3A_123 = arith.index_cast %mul3A_122 : i32 to index
      %swap3A_124 = tpu.vector_load %arg7[%swap3A_123] {strides = array<i32>} : memref<20224xi32, #tpu.memory_space<vmem>>, vector<16xi32>,
      tpu.vector_store %arg7[%swap3A_123], %broadcast_in_dim3A_6 {strides = array<i32>} : memref<20224xi32, #tpu.memory_space<vmem>>, vector<16xi32>,
      %mul3A_125 = arith.constant 16 : i32
      %mul3A_126 = arith.muli %scan3A_21, %mul3A_125 : i32
      %add3A_127 = arith.constant 13 : i32
      %add3A_128 = arith.addi %mul3A_126, %add3A_127 : i32
      %mul3A_129 = arith.constant 16 : i32
      %mul3A_130 = arith.muli %add3A_128, %mul3A_129 : i32
      %swap3A_131 = arith.index_cast %mul3A_130 : i32 to index
      %swap3A_132 = tpu.vector_load %arg7[%swap3A_131] {strides = array<i32>} : memref<20224xi32, #tpu.memory_space<vmem>>, vector<16xi32>,
      tpu.vector_store %arg7[%swap3A_131], %broadcast_in_dim3A_6 {strides = array<i32>} : memref<20224xi32, #tpu.memory_space<vmem>>, vector<16xi32>,
      %mul3A_133 = arith.constant 16 : i32
      %mul3A_134 = arith.muli %scan3A_21, %mul3A_133 : i32
      %add3A_135 = arith.constant 14 : i32
      %add3A_136 = arith.addi %mul3A_134, %add3A_135 : i32
      %mul3A_137 = arith.constant 16 : i32
      %mul3A_138 = arith.muli %add3A_136, %mul3A_137 : i32
      %swap3A_139 = arith.index_cast %mul3A_138 : i32 to index
      %swap3A_140 = tpu.vector_load %arg7[%swap3A_139] {strides = array<i32>} : memref<20224xi32, #tpu.memory_space<vmem>>, vector<16xi32>,
      tpu.vector_store %arg7[%swap3A_139], %broadcast_in_dim3A_6 {strides = array<i32>} : memref<20224xi32, #tpu.memory_space<vmem>>, vector<16xi32>,
      %mul3A_141 = arith.constant 16 : i32
      %mul3A_142 = arith.muli %scan3A_21, %mul3A_141 : i32
      %add3A_143 = arith.constant 15 : i32
      %add3A_144 = arith.addi %mul3A_142, %add3A_143 : i32
      %mul3A_145 = arith.constant 16 : i32
      %mul3A_146 = arith.muli %add3A_144, %mul3A_145 : i32
      %swap3A_147 = arith.index_cast %mul3A_146 : i32 to index
      %swap3A_148 = tpu.vector_load %arg7[%swap3A_147] {strides = array<i32>} : memref<20224xi32, #tpu.memory_space<vmem>>, vector<16xi32>,
      tpu.vector_store %arg7[%swap3A_147], %broadcast_in_dim3A_6 {strides = array<i32>} : memref<20224xi32, #tpu.memory_space<vmem>>, vector<16xi32>,
    }
    %scan3A_11 = arith.constant 79 : i32
    %dma_wait3A = tpu.memref_slice %arg2[%mul3A_2] : memref<640000xi32, #tpu.memory_space<hbm>> -> memref<10000xi32, #tpu.memory_space<hbm>>
    %dma_wait3A_12 = tpu.memref_slice %arg2[%mul3A_2] : memref<640000xi32, #tpu.memory_space<hbm>> -> memref<10000xi32, #tpu.memory_space<hbm>>
    tpu.wait_dma2 semaphore(%arg8 : memref<!tpu.dma_semaphore, #tpu.memory_space<semaphore_mem>>) src(%dma_wait3A_12 : memref<10000xi32, #tpu.memory_space<hbm>>) dst(%arg5 : memref<10000xi32, #tpu.memory_space<vmem>>)
    %dma_wait3A_13 = tpu.memref_slice %arg3[%mul3A_2] : memref<320000xi32, #tpu.memory_space<hbm>> -> memref<10000xi32, #tpu.memory_space<hbm>>
    %dma_wait3A_14 = tpu.memref_slice %arg3[%mul3A_2] : memref<320000xi32, #tpu.memory_space<hbm>> -> memref<10000xi32, #tpu.memory_space<hbm>>
    tpu.wait_dma2 semaphore(%arg8 : memref<!tpu.dma_semaphore, #tpu.memory_space<semaphore_mem>>) src(%dma_wait3A_14 : memref<10000xi32, #tpu.memory_space<hbm>>) dst(%arg6 : memref<10000xi32, #tpu.memory_space<vmem>>)
    %scan3A_15 = arith.constant 0 : i32
    %scan3A_16 = arith.constant 0 : i32
    %scan3A_17 = arith.constant 25 : i32
    %scan3A_18 = arith.addi %scan3A_16, %scan3A_17 : i32
    %scan3A_19 = arith.constant 1 : i32
    scf.for %scan3A_21 = %scan3A_16 to %scan3A_18 step %scan3A_19  : i32 {
      %mul3A_22 = arith.constant 25 : i32
      %mul3A_23 = arith.muli %scan3A_21, %mul3A_22 : i32
      %add3A_24 = arith.constant 0 : i32
      %add3A_25 = arith.addi %mul3A_23, %add3A_24 : i32
      %mul3A_26 = arith.constant 16 : i32
      %mul3A_27 = arith.muli %add3A_25, %mul3A_26 : i32
      %get3A = arith.index_cast %mul3A_27 : i32 to index
      %get3A_28 = tpu.vector_load %arg5[%get3A] {strides = array<i32>} : memref<10000xi32, #tpu.memory_space<vmem>>, vector<16xi32>,
      %get3A_29 = arith.index_cast %mul3A_27 : i32 to index
      %get3A_30 = tpu.vector_load %arg6[%get3A_29] {strides = array<i32>} : memref<10000xi32, #tpu.memory_space<vmem>>, vector<16xi32>,
      %shift_right_arithmetic3A = arith.constant 1 : i32
      %shift_right_arithmetic3A_31 = vector.broadcast %shift_right_arithmetic3A : i32 to vector<16xi32>
      %shift_right_arithmetic3A_32 = arith.shrsi %get3A_30, %shift_right_arithmetic3A_31 : vector<16xi32>
      %mul3A_33 = arith.constant 10112 : i32
      %mul3A_34 = vector.broadcast %mul3A_33 : i32 to vector<16xi32>
      %mul3A_35 = arith.muli %shift_right_arithmetic3A_32, %mul3A_34 : vector<16xi32>
      %add3A_36 = arith.addi %mul3A_35, %get3A_28 : vector<16xi32>
      %and3A = arith.constant 1 : i32
      %and3A_37 = vector.broadcast %and3A : i32 to vector<16xi32>
      %and3A_38 = arith.andi %get3A_30, %and3A_37 : vector<16xi32>
      %shift_left3A = arith.constant 16 : i32
      %shift_left3A_39 = vector.broadcast %shift_left3A : i32 to vector<16xi32>
      %shift_left3A_40 = arith.shli %and3A_38, %shift_left3A_39 : vector<16xi32>
      %sub3A = arith.constant 1 : i32
      %sub3A_41 = vector.broadcast %sub3A : i32 to vector<16xi32>
      %sub3A_42 = arith.subi %sub3A_41, %and3A_38 : vector<16xi32>
      %add3A_43 = arith.addi %shift_left3A_40, %sub3A_42 : vector<16xi32>
      tpu.vector_store_idx %arg7[%add3A_36], %add3A_43 {add = true} : memref<20224xi32, #tpu.memory_space<vmem>>[vector<16xi32>], vector<16xi32>,
      %mul3A_44 = arith.constant 25 : i32
      %mul3A_45 = arith.muli %scan3A_21, %mul3A_44 : i32
      %add3A_46 = arith.constant 1 : i32
      %add3A_47 = arith.addi %mul3A_45, %add3A_46 : i32
      %mul3A_48 = arith.constant 16 : i32
      %mul3A_49 = arith.muli %add3A_47, %mul3A_48 : i32
      %get3A_50 = arith.index_cast %mul3A_49 : i32 to index
      %get3A_51 = tpu.vector_load %arg5[%get3A_50] {strides = array<i32>} : memref<10000xi32, #tpu.memory_space<vmem>>, vector<16xi32>,
      %get3A_52 = arith.index_cast %mul3A_49 : i32 to index
      %get3A_53 = tpu.vector_load %arg6[%get3A_52] {strides = array<i32>} : memref<10000xi32, #tpu.memory_space<vmem>>, vector<16xi32>,
      %shift_right_arithmetic3A_54 = arith.constant 1 : i32
      %shift_right_arithmetic3A_55 = vector.broadcast %shift_right_arithmetic3A_54 : i32 to vector<16xi32>
      %shift_right_arithmetic3A_56 = arith.shrsi %get3A_53, %shift_right_arithmetic3A_55 : vector<16xi32>
      %mul3A_57 = arith.constant 10112 : i32
      %mul3A_58 = vector.broadcast %mul3A_57 : i32 to vector<16xi32>
      %mul3A_59 = arith.muli %shift_right_arithmetic3A_56, %mul3A_58 : vector<16xi32>
      %add3A_60 = arith.addi %mul3A_59, %get3A_51 : vector<16xi32>
      %and3A_61 = arith.constant 1 : i32
      %and3A_62 = vector.broadcast %and3A_61 : i32 to vector<16xi32>
      %and3A_63 = arith.andi %get3A_53, %and3A_62 : vector<16xi32>
      %shift_left3A_64 = arith.constant 16 : i32
      %shift_left3A_65 = vector.broadcast %shift_left3A_64 : i32 to vector<16xi32>
      %shift_left3A_66 = arith.shli %and3A_63, %shift_left3A_65 : vector<16xi32>
      %sub3A_67 = arith.constant 1 : i32
      %sub3A_68 = vector.broadcast %sub3A_67 : i32 to vector<16xi32>
      %sub3A_69 = arith.subi %sub3A_68, %and3A_63 : vector<16xi32>
      %add3A_70 = arith.addi %shift_left3A_66, %sub3A_69 : vector<16xi32>
      tpu.vector_store_idx %arg7[%add3A_60], %add3A_70 {add = true} : memref<20224xi32, #tpu.memory_space<vmem>>[vector<16xi32>], vector<16xi32>,
      %mul3A_71 = arith.constant 25 : i32
      %mul3A_72 = arith.muli %scan3A_21, %mul3A_71 : i32
      %add3A_73 = arith.constant 2 : i32
      %add3A_74 = arith.addi %mul3A_72, %add3A_73 : i32
      %mul3A_75 = arith.constant 16 : i32
      %mul3A_76 = arith.muli %add3A_74, %mul3A_75 : i32
      %get3A_77 = arith.index_cast %mul3A_76 : i32 to index
      %get3A_78 = tpu.vector_load %arg5[%get3A_77] {strides = array<i32>} : memref<10000xi32, #tpu.memory_space<vmem>>, vector<16xi32>,
      %get3A_79 = arith.index_cast %mul3A_76 : i32 to index
      %get3A_80 = tpu.vector_load %arg6[%get3A_79] {strides = array<i32>} : memref<10000xi32, #tpu.memory_space<vmem>>, vector<16xi32>,
      %shift_right_arithmetic3A_81 = arith.constant 1 : i32
      %shift_right_arithmetic3A_82 = vector.broadcast %shift_right_arithmetic3A_81 : i32 to vector<16xi32>
      %shift_right_arithmetic3A_83 = arith.shrsi %get3A_80, %shift_right_arithmetic3A_82 : vector<16xi32>
      %mul3A_84 = arith.constant 10112 : i32
      %mul3A_85 = vector.broadcast %mul3A_84 : i32 to vector<16xi32>
      %mul3A_86 = arith.muli %shift_right_arithmetic3A_83, %mul3A_85 : vector<16xi32>
      %add3A_87 = arith.addi %mul3A_86, %get3A_78 : vector<16xi32>
      %and3A_88 = arith.constant 1 : i32
      %and3A_89 = vector.broadcast %and3A_88 : i32 to vector<16xi32>
      %and3A_90 = arith.andi %get3A_80, %and3A_89 : vector<16xi32>
      %shift_left3A_91 = arith.constant 16 : i32
      %shift_left3A_92 = vector.broadcast %shift_left3A_91 : i32 to vector<16xi32>
      %shift_left3A_93 = arith.shli %and3A_90, %shift_left3A_92 : vector<16xi32>
      %sub3A_94 = arith.constant 1 : i32
      %sub3A_95 = vector.broadcast %sub3A_94 : i32 to vector<16xi32>
      %sub3A_96 = arith.subi %sub3A_95, %and3A_90 : vector<16xi32>
      %add3A_97 = arith.addi %shift_left3A_93, %sub3A_96 : vector<16xi32>
      tpu.vector_store_idx %arg7[%add3A_87], %add3A_97 {add = true} : memref<20224xi32, #tpu.memory_space<vmem>>[vector<16xi32>], vector<16xi32>,
      %mul3A_98 = arith.constant 25 : i32
      %mul3A_99 = arith.muli %scan3A_21, %mul3A_98 : i32
      %add3A_100 = arith.constant 3 : i32
      %add3A_101 = arith.addi %mul3A_99, %add3A_100 : i32
      %mul3A_102 = arith.constant 16 : i32
      %mul3A_103 = arith.muli %add3A_101, %mul3A_102 : i32
      %get3A_104 = arith.index_cast %mul3A_103 : i32 to index
      %get3A_105 = tpu.vector_load %arg5[%get3A_104] {strides = array<i32>} : memref<10000xi32, #tpu.memory_space<vmem>>, vector<16xi32>,
      %get3A_106 = arith.index_cast %mul3A_103 : i32 to index
      %get3A_107 = tpu.vector_load %arg6[%get3A_106] {strides = array<i32>} : memref<10000xi32, #tpu.memory_space<vmem>>, vector<16xi32>,
      %shift_right_arithmetic3A_108 = arith.constant 1 : i32
      %shift_right_arithmetic3A_109 = vector.broadcast %shift_right_arithmetic3A_108 : i32 to vector<16xi32>
      %shift_right_arithmetic3A_110 = arith.shrsi %get3A_107, %shift_right_arithmetic3A_109 : vector<16xi32>
      %mul3A_111 = arith.constant 10112 : i32
      %mul3A_112 = vector.broadcast %mul3A_111 : i32 to vector<16xi32>
      %mul3A_113 = arith.muli %shift_right_arithmetic3A_110, %mul3A_112 : vector<16xi32>
      %add3A_114 = arith.addi %mul3A_113, %get3A_105 : vector<16xi32>
      %and3A_115 = arith.constant 1 : i32
      %and3A_116 = vector.broadcast %and3A_115 : i32 to vector<16xi32>
      %and3A_117 = arith.andi %get3A_107, %and3A_116 : vector<16xi32>
      %shift_left3A_118 = arith.constant 16 : i32
      %shift_left3A_119 = vector.broadcast %shift_left3A_118 : i32 to vector<16xi32>
      %shift_left3A_120 = arith.shli %and3A_117, %shift_left3A_119 : vector<16xi32>
      %sub3A_121 = arith.constant 1 : i32
      %sub3A_122 = vector.broadcast %sub3A_121 : i32 to vector<16xi32>
      %sub3A_123 = arith.subi %sub3A_122, %and3A_117 : vector<16xi32>
      %add3A_124 = arith.addi %shift_left3A_120, %sub3A_123 : vector<16xi32>
      tpu.vector_store_idx %arg7[%add3A_114], %add3A_124 {add = true} : memref<20224xi32, #tpu.memory_space<vmem>>[vector<16xi32>], vector<16xi32>,
      %mul3A_125 = arith.constant 25 : i32
      %mul3A_126 = arith.muli %scan3A_21, %mul3A_125 : i32
      %add3A_127 = arith.constant 4 : i32
      %add3A_128 = arith.addi %mul3A_126, %add3A_127 : i32
      %mul3A_129 = arith.constant 16 : i32
      %mul3A_130 = arith.muli %add3A_128, %mul3A_129 : i32
      %get3A_131 = arith.index_cast %mul3A_130 : i32 to index
      %get3A_132 = tpu.vector_load %arg5[%get3A_131] {strides = array<i32>} : memref<10000xi32, #tpu.memory_space<vmem>>, vector<16xi32>,
      %get3A_133 = arith.index_cast %mul3A_130 : i32 to index
      %get3A_134 = tpu.vector_load %arg6[%get3A_133] {strides = array<i32>} : memref<10000xi32, #tpu.memory_space<vmem>>, vector<16xi32>,
      %shift_right_arithmetic3A_135 = arith.constant 1 : i32
      %shift_right_arithmetic3A_136 = vector.broadcast %shift_right_arithmetic3A_135 : i32 to vector<16xi32>
      %shift_right_arithmetic3A_137 = arith.shrsi %get3A_134, %shift_right_arithmetic3A_136 : vector<16xi32>
      %mul3A_138 = arith.constant 10112 : i32
      %mul3A_139 = vector.broadcast %mul3A_138 : i32 to vector<16xi32>
      %mul3A_140 = arith.muli %shift_right_arithmetic3A_137, %mul3A_139 : vector<16xi32>
      %add3A_141 = arith.addi %mul3A_140, %get3A_132 : vector<16xi32>
      %and3A_142 = arith.constant 1 : i32
      %and3A_143 = vector.broadcast %and3A_142 : i32 to vector<16xi32>
      %and3A_144 = arith.andi %get3A_134, %and3A_143 : vector<16xi32>
      %shift_left3A_145 = arith.constant 16 : i32
      %shift_left3A_146 = vector.broadcast %shift_left3A_145 : i32 to vector<16xi32>
      %shift_left3A_147 = arith.shli %and3A_144, %shift_left3A_146 : vector<16xi32>
      %sub3A_148 = arith.constant 1 : i32
      %sub3A_149 = vector.broadcast %sub3A_148 : i32 to vector<16xi32>
      %sub3A_150 = arith.subi %sub3A_149, %and3A_144 : vector<16xi32>
      %add3A_151 = arith.addi %shift_left3A_147, %sub3A_150 : vector<16xi32>
      tpu.vector_store_idx %arg7[%add3A_141], %add3A_151 {add = true} : memref<20224xi32, #tpu.memory_space<vmem>>[vector<16xi32>], vector<16xi32>,
      %mul3A_152 = arith.constant 25 : i32
      %mul3A_153 = arith.muli %scan3A_21, %mul3A_152 : i32
      %add3A_154 = arith.constant 5 : i32
      %add3A_155 = arith.addi %mul3A_153, %add3A_154 : i32
      %mul3A_156 = arith.constant 16 : i32
      %mul3A_157 = arith.muli %add3A_155, %mul3A_156 : i32
      %get3A_158 = arith.index_cast %mul3A_157 : i32 to index
      %get3A_159 = tpu.vector_load %arg5[%get3A_158] {strides = array<i32>} : memref<10000xi32, #tpu.memory_space<vmem>>, vector<16xi32>,
      %get3A_160 = arith.index_cast %mul3A_157 : i32 to index
      %get3A_161 = tpu.vector_load %arg6[%get3A_160] {strides = array<i32>} : memref<10000xi32, #tpu.memory_space<vmem>>, vector<16xi32>,
      %shift_right_arithmetic3A_162 = arith.constant 1 : i32
      %shift_right_arithmetic3A_163 = vector.broadcast %shift_right_arithmetic3A_162 : i32 to vector<16xi32>
      %shift_right_arithmetic3A_164 = arith.shrsi %get3A_161, %shift_right_arithmetic3A_163 : vector<16xi32>
      %mul3A_165 = arith.constant 10112 : i32
      %mul3A_166 = vector.broadcast %mul3A_165 : i32 to vector<16xi32>
      %mul3A_167 = arith.muli %shift_right_arithmetic3A_164, %mul3A_166 : vector<16xi32>
      %add3A_168 = arith.addi %mul3A_167, %get3A_159 : vector<16xi32>
      %and3A_169 = arith.constant 1 : i32
      %and3A_170 = vector.broadcast %and3A_169 : i32 to vector<16xi32>
      %and3A_171 = arith.andi %get3A_161, %and3A_170 : vector<16xi32>
      %shift_left3A_172 = arith.constant 16 : i32
      %shift_left3A_173 = vector.broadcast %shift_left3A_172 : i32 to vector<16xi32>
      %shift_left3A_174 = arith.shli %and3A_171, %shift_left3A_173 : vector<16xi32>
      %sub3A_175 = arith.constant 1 : i32
      %sub3A_176 = vector.broadcast %sub3A_175 : i32 to vector<16xi32>
      %sub3A_177 = arith.subi %sub3A_176, %and3A_171 : vector<16xi32>
      %add3A_178 = arith.addi %shift_left3A_174, %sub3A_177 : vector<16xi32>
      tpu.vector_store_idx %arg7[%add3A_168], %add3A_178 {add = true} : memref<20224xi32, #tpu.memory_space<vmem>>[vector<16xi32>], vector<16xi32>,
      %mul3A_179 = arith.constant 25 : i32
      %mul3A_180 = arith.muli %scan3A_21, %mul3A_179 : i32
      %add3A_181 = arith.constant 6 : i32
      %add3A_182 = arith.addi %mul3A_180, %add3A_181 : i32
      %mul3A_183 = arith.constant 16 : i32
      %mul3A_184 = arith.muli %add3A_182, %mul3A_183 : i32
      %get3A_185 = arith.index_cast %mul3A_184 : i32 to index
      %get3A_186 = tpu.vector_load %arg5[%get3A_185] {strides = array<i32>} : memref<10000xi32, #tpu.memory_space<vmem>>, vector<16xi32>,
      %get3A_187 = arith.index_cast %mul3A_184 : i32 to index
      %get3A_188 = tpu.vector_load %arg6[%get3A_187] {strides = array<i32>} : memref<10000xi32, #tpu.memory_space<vmem>>, vector<16xi32>,
      %shift_right_arithmetic3A_189 = arith.constant 1 : i32
      %shift_right_arithmetic3A_190 = vector.broadcast %shift_right_arithmetic3A_189 : i32 to vector<16xi32>
      %shift_right_arithmetic3A_191 = arith.shrsi %get3A_188, %shift_right_arithmetic3A_190 : vector<16xi32>
      %mul3A_192 = arith.constant 10112 : i32
      %mul3A_193 = vector.broadcast %mul3A_192 : i32 to vector<16xi32>
      %mul3A_194 = arith.muli %shift_right_arithmetic3A_191, %mul3A_193 : vector<16xi32>
      %add3A_195 = arith.addi %mul3A_194, %get3A_186 : vector<16xi32>
      %and3A_196 = arith.constant 1 : i32
      %and3A_197 = vector.broadcast %and3A_196 : i32 to vector<16xi32>
      %and3A_198 = arith.andi %get3A_188, %and3A_197 : vector<16xi32>
      %shift_left3A_199 = arith.constant 16 : i32
      %shift_left3A_200 = vector.broadcast %shift_left3A_199 : i32 to vector<16xi32>
      %shift_left3A_201 = arith.shli %and3A_198, %shift_left3A_200 : vector<16xi32>
      %sub3A_202 = arith.constant 1 : i32
      %sub3A_203 = vector.broadcast %sub3A_202 : i32 to vector<16xi32>
      %sub3A_204 = arith.subi %sub3A_203, %and3A_198 : vector<16xi32>
      %add3A_205 = arith.addi %shift_left3A_201, %sub3A_204 : vector<16xi32>
      tpu.vector_store_idx %arg7[%add3A_195], %add3A_205 {add = true} : memref<20224xi32, #tpu.memory_space<vmem>>[vector<16xi32>], vector<16xi32>,
      %mul3A_206 = arith.constant 25 : i32
      %mul3A_207 = arith.muli %scan3A_21, %mul3A_206 : i32
      %add3A_208 = arith.constant 7 : i32
      %add3A_209 = arith.addi %mul3A_207, %add3A_208 : i32
      %mul3A_210 = arith.constant 16 : i32
      %mul3A_211 = arith.muli %add3A_209, %mul3A_210 : i32
      %get3A_212 = arith.index_cast %mul3A_211 : i32 to index
      %get3A_213 = tpu.vector_load %arg5[%get3A_212] {strides = array<i32>} : memref<10000xi32, #tpu.memory_space<vmem>>, vector<16xi32>,
      %get3A_214 = arith.index_cast %mul3A_211 : i32 to index
      %get3A_215 = tpu.vector_load %arg6[%get3A_214] {strides = array<i32>} : memref<10000xi32, #tpu.memory_space<vmem>>, vector<16xi32>,
      %shift_right_arithmetic3A_216 = arith.constant 1 : i32
      %shift_right_arithmetic3A_217 = vector.broadcast %shift_right_arithmetic3A_216 : i32 to vector<16xi32>
      %shift_right_arithmetic3A_218 = arith.shrsi %get3A_215, %shift_right_arithmetic3A_217 : vector<16xi32>
      %mul3A_219 = arith.constant 10112 : i32
      %mul3A_220 = vector.broadcast %mul3A_219 : i32 to vector<16xi32>
      %mul3A_221 = arith.muli %shift_right_arithmetic3A_218, %mul3A_220 : vector<16xi32>
      %add3A_222 = arith.addi %mul3A_221, %get3A_213 : vector<16xi32>
      %and3A_223 = arith.constant 1 : i32
      %and3A_224 = vector.broadcast %and3A_223 : i32 to vector<16xi32>
      %and3A_225 = arith.andi %get3A_215, %and3A_224 : vector<16xi32>
      %shift_left3A_226 = arith.constant 16 : i32
      %shift_left3A_227 = vector.broadcast %shift_left3A_226 : i32 to vector<16xi32>
      %shift_left3A_228 = arith.shli %and3A_225, %shift_left3A_227 : vector<16xi32>
      %sub3A_229 = arith.constant 1 : i32
      %sub3A_230 = vector.broadcast %sub3A_229 : i32 to vector<16xi32>
      %sub3A_231 = arith.subi %sub3A_230, %and3A_225 : vector<16xi32>
      %add3A_232 = arith.addi %shift_left3A_228, %sub3A_231 : vector<16xi32>
      tpu.vector_store_idx %arg7[%add3A_222], %add3A_232 {add = true} : memref<20224xi32, #tpu.memory_space<vmem>>[vector<16xi32>], vector<16xi32>,
      %mul3A_233 = arith.constant 25 : i32
      %mul3A_234 = arith.muli %scan3A_21, %mul3A_233 : i32
      %add3A_235 = arith.constant 8 : i32
      %add3A_236 = arith.addi %mul3A_234, %add3A_235 : i32
      %mul3A_237 = arith.constant 16 : i32
      %mul3A_238 = arith.muli %add3A_236, %mul3A_237 : i32
      %get3A_239 = arith.index_cast %mul3A_238 : i32 to index
      %get3A_240 = tpu.vector_load %arg5[%get3A_239] {strides = array<i32>} : memref<10000xi32, #tpu.memory_space<vmem>>, vector<16xi32>,
      %get3A_241 = arith.index_cast %mul3A_238 : i32 to index
      %get3A_242 = tpu.vector_load %arg6[%get3A_241] {strides = array<i32>} : memref<10000xi32, #tpu.memory_space<vmem>>, vector<16xi32>,
      %shift_right_arithmetic3A_243 = arith.constant 1 : i32
      %shift_right_arithmetic3A_244 = vector.broadcast %shift_right_arithmetic3A_243 : i32 to vector<16xi32>
      %shift_right_arithmetic3A_245 = arith.shrsi %get3A_242, %shift_right_arithmetic3A_244 : vector<16xi32>
      %mul3A_246 = arith.constant 10112 : i32
      %mul3A_247 = vector.broadcast %mul3A_246 : i32 to vector<16xi32>
      %mul3A_248 = arith.muli %shift_right_arithmetic3A_245, %mul3A_247 : vector<16xi32>
      %add3A_249 = arith.addi %mul3A_248, %get3A_240 : vector<16xi32>
      %and3A_250 = arith.constant 1 : i32
      %and3A_251 = vector.broadcast %and3A_250 : i32 to vector<16xi32>
      %and3A_252 = arith.andi %get3A_242, %and3A_251 : vector<16xi32>
      %shift_left3A_253 = arith.constant 16 : i32
      %shift_left3A_254 = vector.broadcast %shift_left3A_253 : i32 to vector<16xi32>
      %shift_left3A_255 = arith.shli %and3A_252, %shift_left3A_254 : vector<16xi32>
      %sub3A_256 = arith.constant 1 : i32
      %sub3A_257 = vector.broadcast %sub3A_256 : i32 to vector<16xi32>
      %sub3A_258 = arith.subi %sub3A_257, %and3A_252 : vector<16xi32>
      %add3A_259 = arith.addi %shift_left3A_255, %sub3A_258 : vector<16xi32>
      tpu.vector_store_idx %arg7[%add3A_249], %add3A_259 {add = true} : memref<20224xi32, #tpu.memory_space<vmem>>[vector<16xi32>], vector<16xi32>,
      %mul3A_260 = arith.constant 25 : i32
      %mul3A_261 = arith.muli %scan3A_21, %mul3A_260 : i32
      %add3A_262 = arith.constant 9 : i32
      %add3A_263 = arith.addi %mul3A_261, %add3A_262 : i32
      %mul3A_264 = arith.constant 16 : i32
      %mul3A_265 = arith.muli %add3A_263, %mul3A_264 : i32
      %get3A_266 = arith.index_cast %mul3A_265 : i32 to index
      %get3A_267 = tpu.vector_load %arg5[%get3A_266] {strides = array<i32>} : memref<10000xi32, #tpu.memory_space<vmem>>, vector<16xi32>,
      %get3A_268 = arith.index_cast %mul3A_265 : i32 to index
      %get3A_269 = tpu.vector_load %arg6[%get3A_268] {strides = array<i32>} : memref<10000xi32, #tpu.memory_space<vmem>>, vector<16xi32>,
      %shift_right_arithmetic3A_270 = arith.constant 1 : i32
      %shift_right_arithmetic3A_271 = vector.broadcast %shift_right_arithmetic3A_270 : i32 to vector<16xi32>
      %shift_right_arithmetic3A_272 = arith.shrsi %get3A_269, %shift_right_arithmetic3A_271 : vector<16xi32>
      %mul3A_273 = arith.constant 10112 : i32
      %mul3A_274 = vector.broadcast %mul3A_273 : i32 to vector<16xi32>
      %mul3A_275 = arith.muli %shift_right_arithmetic3A_272, %mul3A_274 : vector<16xi32>
      %add3A_276 = arith.addi %mul3A_275, %get3A_267 : vector<16xi32>
      %and3A_277 = arith.constant 1 : i32
      %and3A_278 = vector.broadcast %and3A_277 : i32 to vector<16xi32>
      %and3A_279 = arith.andi %get3A_269, %and3A_278 : vector<16xi32>
      %shift_left3A_280 = arith.constant 16 : i32
      %shift_left3A_281 = vector.broadcast %shift_left3A_280 : i32 to vector<16xi32>
      %shift_left3A_282 = arith.shli %and3A_279, %shift_left3A_281 : vector<16xi32>
      %sub3A_283 = arith.constant 1 : i32
      %sub3A_284 = vector.broadcast %sub3A_283 : i32 to vector<16xi32>
      %sub3A_285 = arith.subi %sub3A_284, %and3A_279 : vector<16xi32>
      %add3A_286 = arith.addi %shift_left3A_282, %sub3A_285 : vector<16xi32>
      tpu.vector_store_idx %arg7[%add3A_276], %add3A_286 {add = true} : memref<20224xi32, #tpu.memory_space<vmem>>[vector<16xi32>], vector<16xi32>,
      %mul3A_287 = arith.constant 25 : i32
      %mul3A_288 = arith.muli %scan3A_21, %mul3A_287 : i32
      %add3A_289 = arith.constant 10 : i32
      %add3A_290 = arith.addi %mul3A_288, %add3A_289 : i32
      %mul3A_291 = arith.constant 16 : i32
      %mul3A_292 = arith.muli %add3A_290, %mul3A_291 : i32
      %get3A_293 = arith.index_cast %mul3A_292 : i32 to index
      %get3A_294 = tpu.vector_load %arg5[%get3A_293] {strides = array<i32>} : memref<10000xi32, #tpu.memory_space<vmem>>, vector<16xi32>,
      %get3A_295 = arith.index_cast %mul3A_292 : i32 to index
      %get3A_296 = tpu.vector_load %arg6[%get3A_295] {strides = array<i32>} : memref<10000xi32, #tpu.memory_space<vmem>>, vector<16xi32>,
      %shift_right_arithmetic3A_297 = arith.constant 1 : i32
      %shift_right_arithmetic3A_298 = vector.broadcast %shift_right_arithmetic3A_297 : i32 to vector<16xi32>
      %shift_right_arithmetic3A_299 = arith.shrsi %get3A_296, %shift_right_arithmetic3A_298 : vector<16xi32>
      %mul3A_300 = arith.constant 10112 : i32
      %mul3A_301 = vector.broadcast %mul3A_300 : i32 to vector<16xi32>
      %mul3A_302 = arith.muli %shift_right_arithmetic3A_299, %mul3A_301 : vector<16xi32>
      %add3A_303 = arith.addi %mul3A_302, %get3A_294 : vector<16xi32>
      %and3A_304 = arith.constant 1 : i32
      %and3A_305 = vector.broadcast %and3A_304 : i32 to vector<16xi32>
      %and3A_306 = arith.andi %get3A_296, %and3A_305 : vector<16xi32>
      %shift_left3A_307 = arith.constant 16 : i32
      %shift_left3A_308 = vector.broadcast %shift_left3A_307 : i32 to vector<16xi32>
      %shift_left3A_309 = arith.shli %and3A_306, %shift_left3A_308 : vector<16xi32>
      %sub3A_310 = arith.constant 1 : i32
      %sub3A_311 = vector.broadcast %sub3A_310 : i32 to vector<16xi32>
      %sub3A_312 = arith.subi %sub3A_311, %and3A_306 : vector<16xi32>
      %add3A_313 = arith.addi %shift_left3A_309, %sub3A_312 : vector<16xi32>
      tpu.vector_store_idx %arg7[%add3A_303], %add3A_313 {add = true} : memref<20224xi32, #tpu.memory_space<vmem>>[vector<16xi32>], vector<16xi32>,
      %mul3A_314 = arith.constant 25 : i32
      %mul3A_315 = arith.muli %scan3A_21, %mul3A_314 : i32
      %add3A_316 = arith.constant 11 : i32
      %add3A_317 = arith.addi %mul3A_315, %add3A_316 : i32
      %mul3A_318 = arith.constant 16 : i32
      %mul3A_319 = arith.muli %add3A_317, %mul3A_318 : i32
      %get3A_320 = arith.index_cast %mul3A_319 : i32 to index
      %get3A_321 = tpu.vector_load %arg5[%get3A_320] {strides = array<i32>} : memref<10000xi32, #tpu.memory_space<vmem>>, vector<16xi32>,
      %get3A_322 = arith.index_cast %mul3A_319 : i32 to index
      %get3A_323 = tpu.vector_load %arg6[%get3A_322] {strides = array<i32>} : memref<10000xi32, #tpu.memory_space<vmem>>, vector<16xi32>,
      %shift_right_arithmetic3A_324 = arith.constant 1 : i32
      %shift_right_arithmetic3A_325 = vector.broadcast %shift_right_arithmetic3A_324 : i32 to vector<16xi32>
      %shift_right_arithmetic3A_326 = arith.shrsi %get3A_323, %shift_right_arithmetic3A_325 : vector<16xi32>
      %mul3A_327 = arith.constant 10112 : i32
      %mul3A_328 = vector.broadcast %mul3A_327 : i32 to vector<16xi32>
      %mul3A_329 = arith.muli %shift_right_arithmetic3A_326, %mul3A_328 : vector<16xi32>
      %add3A_330 = arith.addi %mul3A_329, %get3A_321 : vector<16xi32>
      %and3A_331 = arith.constant 1 : i32
      %and3A_332 = vector.broadcast %and3A_331 : i32 to vector<16xi32>
      %and3A_333 = arith.andi %get3A_323, %and3A_332 : vector<16xi32>
      %shift_left3A_334 = arith.constant 16 : i32
      %shift_left3A_335 = vector.broadcast %shift_left3A_334 : i32 to vector<16xi32>
      %shift_left3A_336 = arith.shli %and3A_333, %shift_left3A_335 : vector<16xi32>
      %sub3A_337 = arith.constant 1 : i32
      %sub3A_338 = vector.broadcast %sub3A_337 : i32 to vector<16xi32>
      %sub3A_339 = arith.subi %sub3A_338, %and3A_333 : vector<16xi32>
      %add3A_340 = arith.addi %shift_left3A_336, %sub3A_339 : vector<16xi32>
      tpu.vector_store_idx %arg7[%add3A_330], %add3A_340 {add = true} : memref<20224xi32, #tpu.memory_space<vmem>>[vector<16xi32>], vector<16xi32>,
      %mul3A_341 = arith.constant 25 : i32
      %mul3A_342 = arith.muli %scan3A_21, %mul3A_341 : i32
      %add3A_343 = arith.constant 12 : i32
      %add3A_344 = arith.addi %mul3A_342, %add3A_343 : i32
      %mul3A_345 = arith.constant 16 : i32
      %mul3A_346 = arith.muli %add3A_344, %mul3A_345 : i32
      %get3A_347 = arith.index_cast %mul3A_346 : i32 to index
      %get3A_348 = tpu.vector_load %arg5[%get3A_347] {strides = array<i32>} : memref<10000xi32, #tpu.memory_space<vmem>>, vector<16xi32>,
      %get3A_349 = arith.index_cast %mul3A_346 : i32 to index
      %get3A_350 = tpu.vector_load %arg6[%get3A_349] {strides = array<i32>} : memref<10000xi32, #tpu.memory_space<vmem>>, vector<16xi32>,
      %shift_right_arithmetic3A_351 = arith.constant 1 : i32
      %shift_right_arithmetic3A_352 = vector.broadcast %shift_right_arithmetic3A_351 : i32 to vector<16xi32>
      %shift_right_arithmetic3A_353 = arith.shrsi %get3A_350, %shift_right_arithmetic3A_352 : vector<16xi32>
      %mul3A_354 = arith.constant 10112 : i32
      %mul3A_355 = vector.broadcast %mul3A_354 : i32 to vector<16xi32>
      %mul3A_356 = arith.muli %shift_right_arithmetic3A_353, %mul3A_355 : vector<16xi32>
      %add3A_357 = arith.addi %mul3A_356, %get3A_348 : vector<16xi32>
      %and3A_358 = arith.constant 1 : i32
      %and3A_359 = vector.broadcast %and3A_358 : i32 to vector<16xi32>
      %and3A_360 = arith.andi %get3A_350, %and3A_359 : vector<16xi32>
      %shift_left3A_361 = arith.constant 16 : i32
      %shift_left3A_362 = vector.broadcast %shift_left3A_361 : i32 to vector<16xi32>
      %shift_left3A_363 = arith.shli %and3A_360, %shift_left3A_362 : vector<16xi32>
      %sub3A_364 = arith.constant 1 : i32
      %sub3A_365 = vector.broadcast %sub3A_364 : i32 to vector<16xi32>
      %sub3A_366 = arith.subi %sub3A_365, %and3A_360 : vector<16xi32>
      %add3A_367 = arith.addi %shift_left3A_363, %sub3A_366 : vector<16xi32>
      tpu.vector_store_idx %arg7[%add3A_357], %add3A_367 {add = true} : memref<20224xi32, #tpu.memory_space<vmem>>[vector<16xi32>], vector<16xi32>,
      %mul3A_368 = arith.constant 25 : i32
      %mul3A_369 = arith.muli %scan3A_21, %mul3A_368 : i32
      %add3A_370 = arith.constant 13 : i32
      %add3A_371 = arith.addi %mul3A_369, %add3A_370 : i32
      %mul3A_372 = arith.constant 16 : i32
      %mul3A_373 = arith.muli %add3A_371, %mul3A_372 : i32
      %get3A_374 = arith.index_cast %mul3A_373 : i32 to index
      %get3A_375 = tpu.vector_load %arg5[%get3A_374] {strides = array<i32>} : memref<10000xi32, #tpu.memory_space<vmem>>, vector<16xi32>,
      %get3A_376 = arith.index_cast %mul3A_373 : i32 to index
      %get3A_377 = tpu.vector_load %arg6[%get3A_376] {strides = array<i32>} : memref<10000xi32, #tpu.memory_space<vmem>>, vector<16xi32>,
      %shift_right_arithmetic3A_378 = arith.constant 1 : i32
      %shift_right_arithmetic3A_379 = vector.broadcast %shift_right_arithmetic3A_378 : i32 to vector<16xi32>
      %shift_right_arithmetic3A_380 = arith.shrsi %get3A_377, %shift_right_arithmetic3A_379 : vector<16xi32>
      %mul3A_381 = arith.constant 10112 : i32
      %mul3A_382 = vector.broadcast %mul3A_381 : i32 to vector<16xi32>
      %mul3A_383 = arith.muli %shift_right_arithmetic3A_380, %mul3A_382 : vector<16xi32>
      %add3A_384 = arith.addi %mul3A_383, %get3A_375 : vector<16xi32>
      %and3A_385 = arith.constant 1 : i32
      %and3A_386 = vector.broadcast %and3A_385 : i32 to vector<16xi32>
      %and3A_387 = arith.andi %get3A_377, %and3A_386 : vector<16xi32>
      %shift_left3A_388 = arith.constant 16 : i32
      %shift_left3A_389 = vector.broadcast %shift_left3A_388 : i32 to vector<16xi32>
      %shift_left3A_390 = arith.shli %and3A_387, %shift_left3A_389 : vector<16xi32>
      %sub3A_391 = arith.constant 1 : i32
      %sub3A_392 = vector.broadcast %sub3A_391 : i32 to vector<16xi32>
      %sub3A_393 = arith.subi %sub3A_392, %and3A_387 : vector<16xi32>
      %add3A_394 = arith.addi %shift_left3A_390, %sub3A_393 : vector<16xi32>
      tpu.vector_store_idx %arg7[%add3A_384], %add3A_394 {add = true} : memref<20224xi32, #tpu.memory_space<vmem>>[vector<16xi32>], vector<16xi32>,
      %mul3A_395 = arith.constant 25 : i32
      %mul3A_396 = arith.muli %scan3A_21, %mul3A_395 : i32
      %add3A_397 = arith.constant 14 : i32
      %add3A_398 = arith.addi %mul3A_396, %add3A_397 : i32
      %mul3A_399 = arith.constant 16 : i32
      %mul3A_400 = arith.muli %add3A_398, %mul3A_399 : i32
      %get3A_401 = arith.index_cast %mul3A_400 : i32 to index
      %get3A_402 = tpu.vector_load %arg5[%get3A_401] {strides = array<i32>} : memref<10000xi32, #tpu.memory_space<vmem>>, vector<16xi32>,
      %get3A_403 = arith.index_cast %mul3A_400 : i32 to index
      %get3A_404 = tpu.vector_load %arg6[%get3A_403] {strides = array<i32>} : memref<10000xi32, #tpu.memory_space<vmem>>, vector<16xi32>,
      %shift_right_arithmetic3A_405 = arith.constant 1 : i32
      %shift_right_arithmetic3A_406 = vector.broadcast %shift_right_arithmetic3A_405 : i32 to vector<16xi32>
      %shift_right_arithmetic3A_407 = arith.shrsi %get3A_404, %shift_right_arithmetic3A_406 : vector<16xi32>
      %mul3A_408 = arith.constant 10112 : i32
      %mul3A_409 = vector.broadcast %mul3A_408 : i32 to vector<16xi32>
      %mul3A_410 = arith.muli %shift_right_arithmetic3A_407, %mul3A_409 : vector<16xi32>
      %add3A_411 = arith.addi %mul3A_410, %get3A_402 : vector<16xi32>
      %and3A_412 = arith.constant 1 : i32
      %and3A_413 = vector.broadcast %and3A_412 : i32 to vector<16xi32>
      %and3A_414 = arith.andi %get3A_404, %and3A_413 : vector<16xi32>
      %shift_left3A_415 = arith.constant 16 : i32
      %shift_left3A_416 = vector.broadcast %shift_left3A_415 : i32 to vector<16xi32>
      %shift_left3A_417 = arith.shli %and3A_414, %shift_left3A_416 : vector<16xi32>
      %sub3A_418 = arith.constant 1 : i32
      %sub3A_419 = vector.broadcast %sub3A_418 : i32 to vector<16xi32>
      %sub3A_420 = arith.subi %sub3A_419, %and3A_414 : vector<16xi32>
      %add3A_421 = arith.addi %shift_left3A_417, %sub3A_420 : vector<16xi32>
      tpu.vector_store_idx %arg7[%add3A_411], %add3A_421 {add = true} : memref<20224xi32, #tpu.memory_space<vmem>>[vector<16xi32>], vector<16xi32>,
      %mul3A_422 = arith.constant 25 : i32
      %mul3A_423 = arith.muli %scan3A_21, %mul3A_422 : i32
      %add3A_424 = arith.constant 15 : i32
      %add3A_425 = arith.addi %mul3A_423, %add3A_424 : i32
      %mul3A_426 = arith.constant 16 : i32
      %mul3A_427 = arith.muli %add3A_425, %mul3A_426 : i32
      %get3A_428 = arith.index_cast %mul3A_427 : i32 to index
      %get3A_429 = tpu.vector_load %arg5[%get3A_428] {strides = array<i32>} : memref<10000xi32, #tpu.memory_space<vmem>>, vector<16xi32>,
      %get3A_430 = arith.index_cast %mul3A_427 : i32 to index
      %get3A_431 = tpu.vector_load %arg6[%get3A_430] {strides = array<i32>} : memref<10000xi32, #tpu.memory_space<vmem>>, vector<16xi32>,
      %shift_right_arithmetic3A_432 = arith.constant 1 : i32
      %shift_right_arithmetic3A_433 = vector.broadcast %shift_right_arithmetic3A_432 : i32 to vector<16xi32>
      %shift_right_arithmetic3A_434 = arith.shrsi %get3A_431, %shift_right_arithmetic3A_433 : vector<16xi32>
      %mul3A_435 = arith.constant 10112 : i32
      %mul3A_436 = vector.broadcast %mul3A_435 : i32 to vector<16xi32>
      %mul3A_437 = arith.muli %shift_right_arithmetic3A_434, %mul3A_436 : vector<16xi32>
      %add3A_438 = arith.addi %mul3A_437, %get3A_429 : vector<16xi32>
      %and3A_439 = arith.constant 1 : i32
      %and3A_440 = vector.broadcast %and3A_439 : i32 to vector<16xi32>
      %and3A_441 = arith.andi %get3A_431, %and3A_440 : vector<16xi32>
      %shift_left3A_442 = arith.constant 16 : i32
      %shift_left3A_443 = vector.broadcast %shift_left3A_442 : i32 to vector<16xi32>
      %shift_left3A_444 = arith.shli %and3A_441, %shift_left3A_443 : vector<16xi32>
      %sub3A_445 = arith.constant 1 : i32
      %sub3A_446 = vector.broadcast %sub3A_445 : i32 to vector<16xi32>
      %sub3A_447 = arith.subi %sub3A_446, %and3A_441 : vector<16xi32>
      %add3A_448 = arith.addi %shift_left3A_444, %sub3A_447 : vector<16xi32>
      tpu.vector_store_idx %arg7[%add3A_438], %add3A_448 {add = true} : memref<20224xi32, #tpu.memory_space<vmem>>[vector<16xi32>], vector<16xi32>,
      %mul3A_449 = arith.constant 25 : i32
      %mul3A_450 = arith.muli %scan3A_21, %mul3A_449 : i32
      %add3A_451 = arith.constant 16 : i32
      %add3A_452 = arith.addi %mul3A_450, %add3A_451 : i32
      %mul3A_453 = arith.constant 16 : i32
      %mul3A_454 = arith.muli %add3A_452, %mul3A_453 : i32
      %get3A_455 = arith.index_cast %mul3A_454 : i32 to index
      %get3A_456 = tpu.vector_load %arg5[%get3A_455] {strides = array<i32>} : memref<10000xi32, #tpu.memory_space<vmem>>, vector<16xi32>,
      %get3A_457 = arith.index_cast %mul3A_454 : i32 to index
      %get3A_458 = tpu.vector_load %arg6[%get3A_457] {strides = array<i32>} : memref<10000xi32, #tpu.memory_space<vmem>>, vector<16xi32>,
      %shift_right_arithmetic3A_459 = arith.constant 1 : i32
      %shift_right_arithmetic3A_460 = vector.broadcast %shift_right_arithmetic3A_459 : i32 to vector<16xi32>
      %shift_right_arithmetic3A_461 = arith.shrsi %get3A_458, %shift_right_arithmetic3A_460 : vector<16xi32>
      %mul3A_462 = arith.constant 10112 : i32
      %mul3A_463 = vector.broadcast %mul3A_462 : i32 to vector<16xi32>
      %mul3A_464 = arith.muli %shift_right_arithmetic3A_461, %mul3A_463 : vector<16xi32>
      %add3A_465 = arith.addi %mul3A_464, %get3A_456 : vector<16xi32>
      %and3A_466 = arith.constant 1 : i32
      %and3A_467 = vector.broadcast %and3A_466 : i32 to vector<16xi32>
      %and3A_468 = arith.andi %get3A_458, %and3A_467 : vector<16xi32>
      %shift_left3A_469 = arith.constant 16 : i32
      %shift_left3A_470 = vector.broadcast %shift_left3A_469 : i32 to vector<16xi32>
      %shift_left3A_471 = arith.shli %and3A_468, %shift_left3A_470 : vector<16xi32>
      %sub3A_472 = arith.constant 1 : i32
      %sub3A_473 = vector.broadcast %sub3A_472 : i32 to vector<16xi32>
      %sub3A_474 = arith.subi %sub3A_473, %and3A_468 : vector<16xi32>
      %add3A_475 = arith.addi %shift_left3A_471, %sub3A_474 : vector<16xi32>
      tpu.vector_store_idx %arg7[%add3A_465], %add3A_475 {add = true} : memref<20224xi32, #tpu.memory_space<vmem>>[vector<16xi32>], vector<16xi32>,
      %mul3A_476 = arith.constant 25 : i32
      %mul3A_477 = arith.muli %scan3A_21, %mul3A_476 : i32
      %add3A_478 = arith.constant 17 : i32
      %add3A_479 = arith.addi %mul3A_477, %add3A_478 : i32
      %mul3A_480 = arith.constant 16 : i32
      %mul3A_481 = arith.muli %add3A_479, %mul3A_480 : i32
      %get3A_482 = arith.index_cast %mul3A_481 : i32 to index
      %get3A_483 = tpu.vector_load %arg5[%get3A_482] {strides = array<i32>} : memref<10000xi32, #tpu.memory_space<vmem>>, vector<16xi32>,
      %get3A_484 = arith.index_cast %mul3A_481 : i32 to index
      %get3A_485 = tpu.vector_load %arg6[%get3A_484] {strides = array<i32>} : memref<10000xi32, #tpu.memory_space<vmem>>, vector<16xi32>,
      %shift_right_arithmetic3A_486 = arith.constant 1 : i32
      %shift_right_arithmetic3A_487 = vector.broadcast %shift_right_arithmetic3A_486 : i32 to vector<16xi32>
      %shift_right_arithmetic3A_488 = arith.shrsi %get3A_485, %shift_right_arithmetic3A_487 : vector<16xi32>
      %mul3A_489 = arith.constant 10112 : i32
      %mul3A_490 = vector.broadcast %mul3A_489 : i32 to vector<16xi32>
      %mul3A_491 = arith.muli %shift_right_arithmetic3A_488, %mul3A_490 : vector<16xi32>
      %add3A_492 = arith.addi %mul3A_491, %get3A_483 : vector<16xi32>
      %and3A_493 = arith.constant 1 : i32
      %and3A_494 = vector.broadcast %and3A_493 : i32 to vector<16xi32>
      %and3A_495 = arith.andi %get3A_485, %and3A_494 : vector<16xi32>
      %shift_left3A_496 = arith.constant 16 : i32
      %shift_left3A_497 = vector.broadcast %shift_left3A_496 : i32 to vector<16xi32>
      %shift_left3A_498 = arith.shli %and3A_495, %shift_left3A_497 : vector<16xi32>
      %sub3A_499 = arith.constant 1 : i32
      %sub3A_500 = vector.broadcast %sub3A_499 : i32 to vector<16xi32>
      %sub3A_501 = arith.subi %sub3A_500, %and3A_495 : vector<16xi32>
      %add3A_502 = arith.addi %shift_left3A_498, %sub3A_501 : vector<16xi32>
      tpu.vector_store_idx %arg7[%add3A_492], %add3A_502 {add = true} : memref<20224xi32, #tpu.memory_space<vmem>>[vector<16xi32>], vector<16xi32>,
      %mul3A_503 = arith.constant 25 : i32
      %mul3A_504 = arith.muli %scan3A_21, %mul3A_503 : i32
      %add3A_505 = arith.constant 18 : i32
      %add3A_506 = arith.addi %mul3A_504, %add3A_505 : i32
      %mul3A_507 = arith.constant 16 : i32
      %mul3A_508 = arith.muli %add3A_506, %mul3A_507 : i32
      %get3A_509 = arith.index_cast %mul3A_508 : i32 to index
      %get3A_510 = tpu.vector_load %arg5[%get3A_509] {strides = array<i32>} : memref<10000xi32, #tpu.memory_space<vmem>>, vector<16xi32>,
      %get3A_511 = arith.index_cast %mul3A_508 : i32 to index
      %get3A_512 = tpu.vector_load %arg6[%get3A_511] {strides = array<i32>} : memref<10000xi32, #tpu.memory_space<vmem>>, vector<16xi32>,
      %shift_right_arithmetic3A_513 = arith.constant 1 : i32
      %shift_right_arithmetic3A_514 = vector.broadcast %shift_right_arithmetic3A_513 : i32 to vector<16xi32>
      %shift_right_arithmetic3A_515 = arith.shrsi %get3A_512, %shift_right_arithmetic3A_514 : vector<16xi32>
      %mul3A_516 = arith.constant 10112 : i32
      %mul3A_517 = vector.broadcast %mul3A_516 : i32 to vector<16xi32>
      %mul3A_518 = arith.muli %shift_right_arithmetic3A_515, %mul3A_517 : vector<16xi32>
      %add3A_519 = arith.addi %mul3A_518, %get3A_510 : vector<16xi32>
      %and3A_520 = arith.constant 1 : i32
      %and3A_521 = vector.broadcast %and3A_520 : i32 to vector<16xi32>
      %and3A_522 = arith.andi %get3A_512, %and3A_521 : vector<16xi32>
      %shift_left3A_523 = arith.constant 16 : i32
      %shift_left3A_524 = vector.broadcast %shift_left3A_523 : i32 to vector<16xi32>
      %shift_left3A_525 = arith.shli %and3A_522, %shift_left3A_524 : vector<16xi32>
      %sub3A_526 = arith.constant 1 : i32
      %sub3A_527 = vector.broadcast %sub3A_526 : i32 to vector<16xi32>
      %sub3A_528 = arith.subi %sub3A_527, %and3A_522 : vector<16xi32>
      %add3A_529 = arith.addi %shift_left3A_525, %sub3A_528 : vector<16xi32>
      tpu.vector_store_idx %arg7[%add3A_519], %add3A_529 {add = true} : memref<20224xi32, #tpu.memory_space<vmem>>[vector<16xi32>], vector<16xi32>,
      %mul3A_530 = arith.constant 25 : i32
      %mul3A_531 = arith.muli %scan3A_21, %mul3A_530 : i32
      %add3A_532 = arith.constant 19 : i32
      %add3A_533 = arith.addi %mul3A_531, %add3A_532 : i32
      %mul3A_534 = arith.constant 16 : i32
      %mul3A_535 = arith.muli %add3A_533, %mul3A_534 : i32
      %get3A_536 = arith.index_cast %mul3A_535 : i32 to index
      %get3A_537 = tpu.vector_load %arg5[%get3A_536] {strides = array<i32>} : memref<10000xi32, #tpu.memory_space<vmem>>, vector<16xi32>,
      %get3A_538 = arith.index_cast %mul3A_535 : i32 to index
      %get3A_539 = tpu.vector_load %arg6[%get3A_538] {strides = array<i32>} : memref<10000xi32, #tpu.memory_space<vmem>>, vector<16xi32>,
      %shift_right_arithmetic3A_540 = arith.constant 1 : i32
      %shift_right_arithmetic3A_541 = vector.broadcast %shift_right_arithmetic3A_540 : i32 to vector<16xi32>
      %shift_right_arithmetic3A_542 = arith.shrsi %get3A_539, %shift_right_arithmetic3A_541 : vector<16xi32>
      %mul3A_543 = arith.constant 10112 : i32
      %mul3A_544 = vector.broadcast %mul3A_543 : i32 to vector<16xi32>
      %mul3A_545 = arith.muli %shift_right_arithmetic3A_542, %mul3A_544 : vector<16xi32>
      %add3A_546 = arith.addi %mul3A_545, %get3A_537 : vector<16xi32>
      %and3A_547 = arith.constant 1 : i32
      %and3A_548 = vector.broadcast %and3A_547 : i32 to vector<16xi32>
      %and3A_549 = arith.andi %get3A_539, %and3A_548 : vector<16xi32>
      %shift_left3A_550 = arith.constant 16 : i32
      %shift_left3A_551 = vector.broadcast %shift_left3A_550 : i32 to vector<16xi32>
      %shift_left3A_552 = arith.shli %and3A_549, %shift_left3A_551 : vector<16xi32>
      %sub3A_553 = arith.constant 1 : i32
      %sub3A_554 = vector.broadcast %sub3A_553 : i32 to vector<16xi32>
      %sub3A_555 = arith.subi %sub3A_554, %and3A_549 : vector<16xi32>
      %add3A_556 = arith.addi %shift_left3A_552, %sub3A_555 : vector<16xi32>
      tpu.vector_store_idx %arg7[%add3A_546], %add3A_556 {add = true} : memref<20224xi32, #tpu.memory_space<vmem>>[vector<16xi32>], vector<16xi32>,
      %mul3A_557 = arith.constant 25 : i32
      %mul3A_558 = arith.muli %scan3A_21, %mul3A_557 : i32
      %add3A_559 = arith.constant 20 : i32
      %add3A_560 = arith.addi %mul3A_558, %add3A_559 : i32
      %mul3A_561 = arith.constant 16 : i32
      %mul3A_562 = arith.muli %add3A_560, %mul3A_561 : i32
      %get3A_563 = arith.index_cast %mul3A_562 : i32 to index
      %get3A_564 = tpu.vector_load %arg5[%get3A_563] {strides = array<i32>} : memref<10000xi32, #tpu.memory_space<vmem>>, vector<16xi32>,
      %get3A_565 = arith.index_cast %mul3A_562 : i32 to index
      %get3A_566 = tpu.vector_load %arg6[%get3A_565] {strides = array<i32>} : memref<10000xi32, #tpu.memory_space<vmem>>, vector<16xi32>,
      %shift_right_arithmetic3A_567 = arith.constant 1 : i32
      %shift_right_arithmetic3A_568 = vector.broadcast %shift_right_arithmetic3A_567 : i32 to vector<16xi32>
      %shift_right_arithmetic3A_569 = arith.shrsi %get3A_566, %shift_right_arithmetic3A_568 : vector<16xi32>
      %mul3A_570 = arith.constant 10112 : i32
      %mul3A_571 = vector.broadcast %mul3A_570 : i32 to vector<16xi32>
      %mul3A_572 = arith.muli %shift_right_arithmetic3A_569, %mul3A_571 : vector<16xi32>
      %add3A_573 = arith.addi %mul3A_572, %get3A_564 : vector<16xi32>
      %and3A_574 = arith.constant 1 : i32
      %and3A_575 = vector.broadcast %and3A_574 : i32 to vector<16xi32>
      %and3A_576 = arith.andi %get3A_566, %and3A_575 : vector<16xi32>
      %shift_left3A_577 = arith.constant 16 : i32
      %shift_left3A_578 = vector.broadcast %shift_left3A_577 : i32 to vector<16xi32>
      %shift_left3A_579 = arith.shli %and3A_576, %shift_left3A_578 : vector<16xi32>
      %sub3A_580 = arith.constant 1 : i32
      %sub3A_581 = vector.broadcast %sub3A_580 : i32 to vector<16xi32>
      %sub3A_582 = arith.subi %sub3A_581, %and3A_576 : vector<16xi32>
      %add3A_583 = arith.addi %shift_left3A_579, %sub3A_582 : vector<16xi32>
      tpu.vector_store_idx %arg7[%add3A_573], %add3A_583 {add = true} : memref<20224xi32, #tpu.memory_space<vmem>>[vector<16xi32>], vector<16xi32>,
      %mul3A_584 = arith.constant 25 : i32
      %mul3A_585 = arith.muli %scan3A_21, %mul3A_584 : i32
      %add3A_586 = arith.constant 21 : i32
      %add3A_587 = arith.addi %mul3A_585, %add3A_586 : i32
      %mul3A_588 = arith.constant 16 : i32
      %mul3A_589 = arith.muli %add3A_587, %mul3A_588 : i32
      %get3A_590 = arith.index_cast %mul3A_589 : i32 to index
      %get3A_591 = tpu.vector_load %arg5[%get3A_590] {strides = array<i32>} : memref<10000xi32, #tpu.memory_space<vmem>>, vector<16xi32>,
      %get3A_592 = arith.index_cast %mul3A_589 : i32 to index
      %get3A_593 = tpu.vector_load %arg6[%get3A_592] {strides = array<i32>} : memref<10000xi32, #tpu.memory_space<vmem>>, vector<16xi32>,
      %shift_right_arithmetic3A_594 = arith.constant 1 : i32
      %shift_right_arithmetic3A_595 = vector.broadcast %shift_right_arithmetic3A_594 : i32 to vector<16xi32>
      %shift_right_arithmetic3A_596 = arith.shrsi %get3A_593, %shift_right_arithmetic3A_595 : vector<16xi32>
      %mul3A_597 = arith.constant 10112 : i32
      %mul3A_598 = vector.broadcast %mul3A_597 : i32 to vector<16xi32>
      %mul3A_599 = arith.muli %shift_right_arithmetic3A_596, %mul3A_598 : vector<16xi32>
      %add3A_600 = arith.addi %mul3A_599, %get3A_591 : vector<16xi32>
      %and3A_601 = arith.constant 1 : i32
      %and3A_602 = vector.broadcast %and3A_601 : i32 to vector<16xi32>
      %and3A_603 = arith.andi %get3A_593, %and3A_602 : vector<16xi32>
      %shift_left3A_604 = arith.constant 16 : i32
      %shift_left3A_605 = vector.broadcast %shift_left3A_604 : i32 to vector<16xi32>
      %shift_left3A_606 = arith.shli %and3A_603, %shift_left3A_605 : vector<16xi32>
      %sub3A_607 = arith.constant 1 : i32
      %sub3A_608 = vector.broadcast %sub3A_607 : i32 to vector<16xi32>
      %sub3A_609 = arith.subi %sub3A_608, %and3A_603 : vector<16xi32>
      %add3A_610 = arith.addi %shift_left3A_606, %sub3A_609 : vector<16xi32>
      tpu.vector_store_idx %arg7[%add3A_600], %add3A_610 {add = true} : memref<20224xi32, #tpu.memory_space<vmem>>[vector<16xi32>], vector<16xi32>,
      %mul3A_611 = arith.constant 25 : i32
      %mul3A_612 = arith.muli %scan3A_21, %mul3A_611 : i32
      %add3A_613 = arith.constant 22 : i32
      %add3A_614 = arith.addi %mul3A_612, %add3A_613 : i32
      %mul3A_615 = arith.constant 16 : i32
      %mul3A_616 = arith.muli %add3A_614, %mul3A_615 : i32
      %get3A_617 = arith.index_cast %mul3A_616 : i32 to index
      %get3A_618 = tpu.vector_load %arg5[%get3A_617] {strides = array<i32>} : memref<10000xi32, #tpu.memory_space<vmem>>, vector<16xi32>,
      %get3A_619 = arith.index_cast %mul3A_616 : i32 to index
      %get3A_620 = tpu.vector_load %arg6[%get3A_619] {strides = array<i32>} : memref<10000xi32, #tpu.memory_space<vmem>>, vector<16xi32>,
      %shift_right_arithmetic3A_621 = arith.constant 1 : i32
      %shift_right_arithmetic3A_622 = vector.broadcast %shift_right_arithmetic3A_621 : i32 to vector<16xi32>
      %shift_right_arithmetic3A_623 = arith.shrsi %get3A_620, %shift_right_arithmetic3A_622 : vector<16xi32>
      %mul3A_624 = arith.constant 10112 : i32
      %mul3A_625 = vector.broadcast %mul3A_624 : i32 to vector<16xi32>
      %mul3A_626 = arith.muli %shift_right_arithmetic3A_623, %mul3A_625 : vector<16xi32>
      %add3A_627 = arith.addi %mul3A_626, %get3A_618 : vector<16xi32>
      %and3A_628 = arith.constant 1 : i32
      %and3A_629 = vector.broadcast %and3A_628 : i32 to vector<16xi32>
      %and3A_630 = arith.andi %get3A_620, %and3A_629 : vector<16xi32>
      %shift_left3A_631 = arith.constant 16 : i32
      %shift_left3A_632 = vector.broadcast %shift_left3A_631 : i32 to vector<16xi32>
      %shift_left3A_633 = arith.shli %and3A_630, %shift_left3A_632 : vector<16xi32>
      %sub3A_634 = arith.constant 1 : i32
      %sub3A_635 = vector.broadcast %sub3A_634 : i32 to vector<16xi32>
      %sub3A_636 = arith.subi %sub3A_635, %and3A_630 : vector<16xi32>
      %add3A_637 = arith.addi %shift_left3A_633, %sub3A_636 : vector<16xi32>
      tpu.vector_store_idx %arg7[%add3A_627], %add3A_637 {add = true} : memref<20224xi32, #tpu.memory_space<vmem>>[vector<16xi32>], vector<16xi32>,
      %mul3A_638 = arith.constant 25 : i32
      %mul3A_639 = arith.muli %scan3A_21, %mul3A_638 : i32
      %add3A_640 = arith.constant 23 : i32
      %add3A_641 = arith.addi %mul3A_639, %add3A_640 : i32
      %mul3A_642 = arith.constant 16 : i32
      %mul3A_643 = arith.muli %add3A_641, %mul3A_642 : i32
      %get3A_644 = arith.index_cast %mul3A_643 : i32 to index
      %get3A_645 = tpu.vector_load %arg5[%get3A_644] {strides = array<i32>} : memref<10000xi32, #tpu.memory_space<vmem>>, vector<16xi32>,
      %get3A_646 = arith.index_cast %mul3A_643 : i32 to index
      %get3A_647 = tpu.vector_load %arg6[%get3A_646] {strides = array<i32>} : memref<10000xi32, #tpu.memory_space<vmem>>, vector<16xi32>,
      %shift_right_arithmetic3A_648 = arith.constant 1 : i32
      %shift_right_arithmetic3A_649 = vector.broadcast %shift_right_arithmetic3A_648 : i32 to vector<16xi32>
      %shift_right_arithmetic3A_650 = arith.shrsi %get3A_647, %shift_right_arithmetic3A_649 : vector<16xi32>
      %mul3A_651 = arith.constant 10112 : i32
      %mul3A_652 = vector.broadcast %mul3A_651 : i32 to vector<16xi32>
      %mul3A_653 = arith.muli %shift_right_arithmetic3A_650, %mul3A_652 : vector<16xi32>
      %add3A_654 = arith.addi %mul3A_653, %get3A_645 : vector<16xi32>
      %and3A_655 = arith.constant 1 : i32
      %and3A_656 = vector.broadcast %and3A_655 : i32 to vector<16xi32>
      %and3A_657 = arith.andi %get3A_647, %and3A_656 : vector<16xi32>
      %shift_left3A_658 = arith.constant 16 : i32
      %shift_left3A_659 = vector.broadcast %shift_left3A_658 : i32 to vector<16xi32>
      %shift_left3A_660 = arith.shli %and3A_657, %shift_left3A_659 : vector<16xi32>
      %sub3A_661 = arith.constant 1 : i32
      %sub3A_662 = vector.broadcast %sub3A_661 : i32 to vector<16xi32>
      %sub3A_663 = arith.subi %sub3A_662, %and3A_657 : vector<16xi32>
      %add3A_664 = arith.addi %shift_left3A_660, %sub3A_663 : vector<16xi32>
      tpu.vector_store_idx %arg7[%add3A_654], %add3A_664 {add = true} : memref<20224xi32, #tpu.memory_space<vmem>>[vector<16xi32>], vector<16xi32>,
      %mul3A_665 = arith.constant 25 : i32
      %mul3A_666 = arith.muli %scan3A_21, %mul3A_665 : i32
      %add3A_667 = arith.constant 24 : i32
      %add3A_668 = arith.addi %mul3A_666, %add3A_667 : i32
      %mul3A_669 = arith.constant 16 : i32
      %mul3A_670 = arith.muli %add3A_668, %mul3A_669 : i32
      %get3A_671 = arith.index_cast %mul3A_670 : i32 to index
      %get3A_672 = tpu.vector_load %arg5[%get3A_671] {strides = array<i32>} : memref<10000xi32, #tpu.memory_space<vmem>>, vector<16xi32>,
      %get3A_673 = arith.index_cast %mul3A_670 : i32 to index
      %get3A_674 = tpu.vector_load %arg6[%get3A_673] {strides = array<i32>} : memref<10000xi32, #tpu.memory_space<vmem>>, vector<16xi32>,
      %shift_right_arithmetic3A_675 = arith.constant 1 : i32
      %shift_right_arithmetic3A_676 = vector.broadcast %shift_right_arithmetic3A_675 : i32 to vector<16xi32>
      %shift_right_arithmetic3A_677 = arith.shrsi %get3A_674, %shift_right_arithmetic3A_676 : vector<16xi32>
      %mul3A_678 = arith.constant 10112 : i32
      %mul3A_679 = vector.broadcast %mul3A_678 : i32 to vector<16xi32>
      %mul3A_680 = arith.muli %shift_right_arithmetic3A_677, %mul3A_679 : vector<16xi32>
      %add3A_681 = arith.addi %mul3A_680, %get3A_672 : vector<16xi32>
      %and3A_682 = arith.constant 1 : i32
      %and3A_683 = vector.broadcast %and3A_682 : i32 to vector<16xi32>
      %and3A_684 = arith.andi %get3A_674, %and3A_683 : vector<16xi32>
      %shift_left3A_685 = arith.constant 16 : i32
      %shift_left3A_686 = vector.broadcast %shift_left3A_685 : i32 to vector<16xi32>
      %shift_left3A_687 = arith.shli %and3A_684, %shift_left3A_686 : vector<16xi32>
      %sub3A_688 = arith.constant 1 : i32
      %sub3A_689 = vector.broadcast %sub3A_688 : i32 to vector<16xi32>
      %sub3A_690 = arith.subi %sub3A_689, %and3A_684 : vector<16xi32>
      %add3A_691 = arith.addi %shift_left3A_687, %sub3A_690 : vector<16xi32>
      tpu.vector_store_idx %arg7[%add3A_681], %add3A_691 {add = true} : memref<20224xi32, #tpu.memory_space<vmem>>[vector<16xi32>], vector<16xi32>,
    }
    %scan3A_20 = arith.constant 25 : i32
    "tpu.region"() ({
      %run_scoped3A = tpu.sem_alloc : memref<!tpu.dma_semaphore, #tpu.memory_space<semaphore_mem>>
      %dma_start3A_21 = arith.constant 0 : i32
      %dma_start3A_22 = tpu.memref_slice %arg4[%add3A, %dma_start3A_21] : memref<32x20224xi32, #tpu.memory_space<hbm>> -> memref<1x20224xi32, #tpu.memory_space<hbm>>
      %dma_start3A_23 = tpu.memref_squeeze %dma_start3A_22 : memref<1x20224xi32, #tpu.memory_space<hbm>> -> memref<20224xi32, #tpu.memory_space<hbm>>
      %dma_start3A_24 = arith.constant 0 : i32
      %dma_start3A_25 = tpu.memref_slice %arg4[%add3A, %dma_start3A_24] : memref<32x20224xi32, #tpu.memory_space<hbm>> -> memref<1x20224xi32, #tpu.memory_space<hbm>>
      %dma_start3A_26 = tpu.memref_squeeze %dma_start3A_25 : memref<1x20224xi32, #tpu.memory_space<hbm>> -> memref<20224xi32, #tpu.memory_space<hbm>>
      tpu.enqueue_dma source(%arg7 : memref<20224xi32, #tpu.memory_space<vmem>>) target(%dma_start3A_26 : memref<20224xi32, #tpu.memory_space<hbm>>) target_semaphore(%run_scoped3A : memref<!tpu.dma_semaphore, #tpu.memory_space<semaphore_mem>>)
      %dma_wait3A_27 = arith.constant 0 : i32
      %dma_wait3A_28 = tpu.memref_slice %arg4[%add3A, %dma_wait3A_27] : memref<32x20224xi32, #tpu.memory_space<hbm>> -> memref<1x20224xi32, #tpu.memory_space<hbm>>
      %dma_wait3A_29 = tpu.memref_squeeze %dma_wait3A_28 : memref<1x20224xi32, #tpu.memory_space<hbm>> -> memref<20224xi32, #tpu.memory_space<hbm>>
      %dma_wait3A_30 = arith.constant 0 : i32
      %dma_wait3A_31 = tpu.memref_slice %arg4[%add3A, %dma_wait3A_30] : memref<32x20224xi32, #tpu.memory_space<hbm>> -> memref<1x20224xi32, #tpu.memory_space<hbm>>
      %dma_wait3A_32 = tpu.memref_squeeze %dma_wait3A_31 : memref<1x20224xi32, #tpu.memory_space<hbm>> -> memref<20224xi32, #tpu.memory_space<hbm>>
      tpu.wait_dma2 semaphore(%run_scoped3A : memref<!tpu.dma_semaphore, #tpu.memory_space<semaphore_mem>>) src(%arg7 : memref<20224xi32, #tpu.memory_space<vmem>>) dst(%dma_wait3A_32 : memref<20224xi32, #tpu.memory_space<hbm>>)
      tpu.yield
    }) : () -> ()
    return
  }
}

module attributes {stable_mosaic.version = 14 : i64} {
  func.func @body(%arg0: memref<32x2x10112xi32, #tpu.memory_space<vmem>>, %arg1: memref<10000x128xf32, #tpu.memory_space<vmem>>, %arg2: memref<4x128x128xf32, #tpu.memory_space<vmem>>, %arg3: memref<128x128xf32, #tpu.memory_space<vmem>>, %arg4: memref<1x128xf32, #tpu.memory_space<vmem>>, %arg5: memref<1x128xf32, #tpu.memory_space<vmem>>) attributes {dimension_semantics = [], scalar_prefetch = 0 : i64, scratch_operands = 0 : i64, tpu.core_type = #tpu.core_type<tc>} {
    %get3A = arith.constant 0 : index
    %get3A_0 = arith.constant 0 : index
    %get3A_1 = arith.constant 0 : index
    %get3A_2 = vector.load %arg0[%get3A, %get3A_0, %get3A_1] : memref<32x2x10112xi32, #tpu.memory_space<vmem>>, vector<32x2x10112xi32>
    %and3A = arith.constant 65535 : i32
    %and3A_3 = vector.broadcast %and3A : i32 to vector<32x2x10112xi32>
    %and3A_4 = arith.andi %get3A_2, %and3A_3 : vector<32x2x10112xi32>
    %reduce_sum3A = arith.constant dense<0> : vector<2x10112xi32>
    %reduce_sum3A_5 = vector.multi_reduction <add>, %and3A_4, %reduce_sum3A [0] : vector<32x2x10112xi32> to vector<2x10112xi32>
    %shift_right_arithmetic3A = arith.constant 16 : i32
    %shift_right_arithmetic3A_6 = vector.broadcast %shift_right_arithmetic3A : i32 to vector<32x2x10112xi32>
    %shift_right_arithmetic3A_7 = arith.shrsi %get3A_2, %shift_right_arithmetic3A_6 : vector<32x2x10112xi32>
    %reduce_sum3A_8 = arith.constant dense<0> : vector<2x10112xi32>
    %reduce_sum3A_9 = vector.multi_reduction <add>, %shift_right_arithmetic3A_7, %reduce_sum3A_8 [0] : vector<32x2x10112xi32> to vector<2x10112xi32>
    %slice3A = vector.extract_strided_slice %reduce_sum3A_5 {offsets = [0, 0], sizes = [1, 10112], strides = [1, 1]} : vector<2x10112xi32> to vector<1x10112xi32>
    %slice3A_10 = vector.extract_strided_slice %reduce_sum3A_9 {offsets = [0, 0], sizes = [1, 10112], strides = [1, 1]} : vector<2x10112xi32> to vector<1x10112xi32>
    %slice3A_11 = vector.extract_strided_slice %reduce_sum3A_5 {offsets = [1, 0], sizes = [1, 10112], strides = [1, 1]} : vector<2x10112xi32> to vector<1x10112xi32>
    %slice3A_12 = vector.extract_strided_slice %reduce_sum3A_9 {offsets = [1, 0], sizes = [1, 10112], strides = [1, 1]} : vector<2x10112xi32> to vector<1x10112xi32>
    %broadcast_in_dim3A = arith.constant 0 : i32
    %broadcast_in_dim3A_13 = vector.broadcast %broadcast_in_dim3A : i32 to vector<4x10112xi32>
    %concatenate3A = tpu.concatenate %slice3A, %slice3A_10, %slice3A_11, %slice3A_12, %broadcast_in_dim3A_13 in 0 : vector<1x10112xi32>, vector<1x10112xi32>, vector<1x10112xi32>, vector<1x10112xi32>, vector<4x10112xi32> -> vector<8x10112xi32>
    %slice3A_14 = vector.extract_strided_slice %concatenate3A {offsets = [0, 0], sizes = [8, 10000], strides = [1, 1]} : vector<8x10112xi32> to vector<8x10000xi32>
    %convert_element_type3A = arith.sitofp %slice3A_14 : vector<8x10000xi32> to vector<8x10000xf32>
    %get3A_15 = arith.constant 0 : index
    %get3A_16 = arith.constant 0 : index
    %get3A_17 = vector.load %arg1[%get3A_15, %get3A_16] : memref<10000x128xf32, #tpu.memory_space<vmem>>, vector<10000x128xf32>
    %dot_general3A = arith.constant dense<0.000000e+00> : vector<8x128xf32>
    %dot_general3A_18 = tpu.matmul %convert_element_type3A, %get3A_17, %dot_general3A {dimension_numbers = #tpu.dot_dimension_numbers<[1], [0], [0], [1], [0, 0, 1, 1], [], []>, transpose_lhs_hint = false} : vector<8x10000xf32>, vector<10000x128xf32>, vector<8x128xf32> -> vector<8x128xf32>
    %get3A_19 = arith.constant 0 : index
    %get3A_20 = arith.constant 0 : index
    %get3A_21 = vector.load %arg1[%get3A_19, %get3A_20] : memref<10000x128xf32, #tpu.memory_space<vmem>>, vector<10000x128xf32>
    %reduce_sum3A_22 = arith.constant dense<0.000000e+00> : vector<128xf32>
    %reduce_sum3A_23 = vector.multi_reduction <add>, %get3A_21, %reduce_sum3A_22 [0] : vector<10000x128xf32> to vector<128xf32>
    %broadcast_in_dim3A_24 = vector.shape_cast %reduce_sum3A_23 : vector<128xf32> to vector<1x128xf32>
    %iota3A = tpu.iota {dimensions = array<i32: 0>} : vector<8x128xi32>
    %eq3A = arith.constant 4 : i32
    %eq3A_25 = vector.broadcast %eq3A : i32 to vector<8x128xi32>
    %eq3A_26 = arith.cmpi eq, %iota3A, %eq3A_25 : vector<8x128xi32>
    %jit3A = arith.constant 0.000000e+00 : f32
    %broadcast_in_dim3A_27 = vector.shape_cast %broadcast_in_dim3A_24 : vector<1x128xf32> to vector<1x128xf32>
    %broadcast_in_dim3A_28 = vector.broadcast %broadcast_in_dim3A_27 : vector<1x128xf32> to vector<8x128xf32>
    %broadcast_in_dim3A_29 = vector.broadcast %jit3A : f32 to vector<8x128xf32>
    %select_n3A = arith.select %eq3A_26, %broadcast_in_dim3A_28, %broadcast_in_dim3A_29 : vector<8x128xi1>, vector<8x128xf32>
    %add3A = arith.addf %dot_general3A_18, %select_n3A : vector<8x128xf32>
    %broadcast_in_dim3A_30 = arith.constant 0.000000e+00 : f32
    %broadcast_in_dim3A_31 = vector.broadcast %broadcast_in_dim3A_30 : f32 to vector<8x128xf32>
    %eq3A_32 = arith.constant 0 : i32
    %eq3A_33 = vector.broadcast %eq3A_32 : i32 to vector<8x128xi32>
    %eq3A_34 = arith.cmpi eq, %iota3A, %eq3A_33 : vector<8x128xi32>
    %jit3A_35 = arith.constant 0.000000e+00 : f32
    %broadcast_in_dim3A_36 = vector.broadcast %jit3A_35 : f32 to vector<8x128xf32>
    %select_n3A_37 = arith.select %eq3A_34, %add3A, %broadcast_in_dim3A_36 : vector<8x128xi1>, vector<8x128xf32>
    %get3A_38 = arith.constant 0 : index
    %get3A_39 = arith.constant 0 : index
    %get3A_40 = arith.constant 0 : index
    %get3A_41 = vector.load %arg2[%get3A_38, %get3A_39, %get3A_40] : memref<4x128x128xf32, #tpu.memory_space<vmem>>, vector<1x128x128xf32>
    %get3A_42 = vector.shape_cast %get3A_41 : vector<1x128x128xf32> to vector<128x128xf32>
    %dot_general3A_43 = arith.constant dense<0.000000e+00> : vector<8x128xf32>
    %dot_general3A_44 = tpu.matmul %select_n3A_37, %get3A_42, %dot_general3A_43 {dimension_numbers = #tpu.dot_dimension_numbers<[1], [0], [0], [1], [0, 0, 1, 1], [], []>, transpose_lhs_hint = false} : vector<8x128xf32>, vector<128x128xf32>, vector<8x128xf32> -> vector<8x128xf32>
    %add3A_45 = arith.addf %broadcast_in_dim3A_31, %dot_general3A_44 : vector<8x128xf32>
    %eq3A_46 = arith.constant 1 : i32
    %eq3A_47 = vector.broadcast %eq3A_46 : i32 to vector<8x128xi32>
    %eq3A_48 = arith.cmpi eq, %iota3A, %eq3A_47 : vector<8x128xi32>
    %jit3A_49 = arith.constant 0.000000e+00 : f32
    %broadcast_in_dim3A_50 = vector.broadcast %jit3A_49 : f32 to vector<8x128xf32>
    %select_n3A_51 = arith.select %eq3A_48, %add3A, %broadcast_in_dim3A_50 : vector<8x128xi1>, vector<8x128xf32>
    %get3A_52 = arith.constant 1 : index
    %get3A_53 = arith.constant 0 : index
    %get3A_54 = arith.constant 0 : index
    %get3A_55 = vector.load %arg2[%get3A_52, %get3A_53, %get3A_54] : memref<4x128x128xf32, #tpu.memory_space<vmem>>, vector<1x128x128xf32>
    %get3A_56 = vector.shape_cast %get3A_55 : vector<1x128x128xf32> to vector<128x128xf32>
    %dot_general3A_57 = arith.constant dense<0.000000e+00> : vector<8x128xf32>
    %dot_general3A_58 = tpu.matmul %select_n3A_51, %get3A_56, %dot_general3A_57 {dimension_numbers = #tpu.dot_dimension_numbers<[1], [0], [0], [1], [0, 0, 1, 1], [], []>, transpose_lhs_hint = false} : vector<8x128xf32>, vector<128x128xf32>, vector<8x128xf32> -> vector<8x128xf32>
    %add3A_59 = arith.addf %add3A_45, %dot_general3A_58 : vector<8x128xf32>
    %eq3A_60 = arith.constant 2 : i32
    %eq3A_61 = vector.broadcast %eq3A_60 : i32 to vector<8x128xi32>
    %eq3A_62 = arith.cmpi eq, %iota3A, %eq3A_61 : vector<8x128xi32>
    %jit3A_63 = arith.constant 0.000000e+00 : f32
    %broadcast_in_dim3A_64 = vector.broadcast %jit3A_63 : f32 to vector<8x128xf32>
    %select_n3A_65 = arith.select %eq3A_62, %add3A, %broadcast_in_dim3A_64 : vector<8x128xi1>, vector<8x128xf32>
    %get3A_66 = arith.constant 2 : index
    %get3A_67 = arith.constant 0 : index
    %get3A_68 = arith.constant 0 : index
    %get3A_69 = vector.load %arg2[%get3A_66, %get3A_67, %get3A_68] : memref<4x128x128xf32, #tpu.memory_space<vmem>>, vector<1x128x128xf32>
    %get3A_70 = vector.shape_cast %get3A_69 : vector<1x128x128xf32> to vector<128x128xf32>
    %dot_general3A_71 = arith.constant dense<0.000000e+00> : vector<8x128xf32>
    %dot_general3A_72 = tpu.matmul %select_n3A_65, %get3A_70, %dot_general3A_71 {dimension_numbers = #tpu.dot_dimension_numbers<[1], [0], [0], [1], [0, 0, 1, 1], [], []>, transpose_lhs_hint = false} : vector<8x128xf32>, vector<128x128xf32>, vector<8x128xf32> -> vector<8x128xf32>
    %add3A_73 = arith.addf %add3A_59, %dot_general3A_72 : vector<8x128xf32>
    %eq3A_74 = arith.constant 3 : i32
    %eq3A_75 = vector.broadcast %eq3A_74 : i32 to vector<8x128xi32>
    %eq3A_76 = arith.cmpi eq, %iota3A, %eq3A_75 : vector<8x128xi32>
    %jit3A_77 = arith.constant 0.000000e+00 : f32
    %broadcast_in_dim3A_78 = vector.broadcast %jit3A_77 : f32 to vector<8x128xf32>
    %select_n3A_79 = arith.select %eq3A_76, %add3A, %broadcast_in_dim3A_78 : vector<8x128xi1>, vector<8x128xf32>
    %get3A_80 = arith.constant 3 : index
    %get3A_81 = arith.constant 0 : index
    %get3A_82 = arith.constant 0 : index
    %get3A_83 = vector.load %arg2[%get3A_80, %get3A_81, %get3A_82] : memref<4x128x128xf32, #tpu.memory_space<vmem>>, vector<1x128x128xf32>
    %get3A_84 = vector.shape_cast %get3A_83 : vector<1x128x128xf32> to vector<128x128xf32>
    %dot_general3A_85 = arith.constant dense<0.000000e+00> : vector<8x128xf32>
    %dot_general3A_86 = tpu.matmul %select_n3A_79, %get3A_84, %dot_general3A_85 {dimension_numbers = #tpu.dot_dimension_numbers<[1], [0], [0], [1], [0, 0, 1, 1], [], []>, transpose_lhs_hint = false} : vector<8x128xf32>, vector<128x128xf32>, vector<8x128xf32> -> vector<8x128xf32>
    %add3A_87 = arith.addf %add3A_73, %dot_general3A_86 : vector<8x128xf32>
    %eq3A_88 = arith.constant 4 : i32
    %eq3A_89 = vector.broadcast %eq3A_88 : i32 to vector<8x128xi32>
    %eq3A_90 = arith.cmpi eq, %iota3A, %eq3A_89 : vector<8x128xi32>
    %jit3A_91 = arith.constant 0.000000e+00 : f32
    %broadcast_in_dim3A_92 = vector.broadcast %jit3A_91 : f32 to vector<8x128xf32>
    %select_n3A_93 = arith.select %eq3A_90, %add3A, %broadcast_in_dim3A_92 : vector<8x128xi1>, vector<8x128xf32>
    %get3A_94 = arith.constant 0 : index
    %get3A_95 = arith.constant 0 : index
    %get3A_96 = vector.load %arg3[%get3A_94, %get3A_95] : memref<128x128xf32, #tpu.memory_space<vmem>>, vector<128x128xf32>
    %dot_general3A_97 = arith.constant dense<0.000000e+00> : vector<8x128xf32>
    %dot_general3A_98 = tpu.matmul %select_n3A_93, %get3A_96, %dot_general3A_97 {dimension_numbers = #tpu.dot_dimension_numbers<[1], [0], [0], [1], [0, 0, 1, 1], [], []>, transpose_lhs_hint = false} : vector<8x128xf32>, vector<128x128xf32>, vector<8x128xf32> -> vector<8x128xf32>
    %add3A_99 = arith.addf %add3A_87, %dot_general3A_98 : vector<8x128xf32>
    %reduce_sum3A_100 = arith.constant dense<0.000000e+00> : vector<128xf32>
    %reduce_sum3A_101 = vector.multi_reduction <add>, %add3A_99, %reduce_sum3A_100 [0] : vector<8x128xf32> to vector<128xf32>
    %broadcast_in_dim3A_102 = vector.shape_cast %reduce_sum3A_101 : vector<128xf32> to vector<1x128xf32>
    %mul3A = arith.constant 9.99999974E-5 : f32
    %mul3A_103 = vector.broadcast %mul3A : f32 to vector<1x128xf32>
    %mul3A_104 = arith.mulf %broadcast_in_dim3A_102, %mul3A_103 : vector<1x128xf32>
    %get3A_105 = arith.constant 0 : index
    %get3A_106 = arith.constant 0 : index
    %get3A_107 = vector.load %arg4[%get3A_105, %get3A_106] : memref<1x128xf32, #tpu.memory_space<vmem>>, vector<1x128xf32>
    %add3A_108 = arith.addf %mul3A_104, %get3A_107 : vector<1x128xf32>
    %swap3A = arith.constant 0 : index
    %swap3A_109 = arith.constant 0 : index
    %swap3A_110 = vector.load %arg5[%swap3A, %swap3A_109] : memref<1x128xf32, #tpu.memory_space<vmem>>, vector<1x128xf32>
    tpu.vector_store %arg5[%swap3A, %swap3A_109], %add3A_108 {strides = array<i32>} : memref<1x128xf32, #tpu.memory_space<vmem>>, vector<1x128xf32>,
    return
  }
}

</mosaic_0001>

<sc_bundles>
// kernel: kernel.4.cloned.1.call-start
scs
__scs_entry_jumppad:
0x0: {  	(pc) =	sbr.rel $0x88, $3  }
0x1: {  	(tag) =	ssettag $0x0;
	lr =	simm.s32 $0x1  }
0x2: {  	[smem:$0x3F9B] =	sst lr;
	_ =	strace $0xD0000000  }
0x3: {  	_ = 	snop  }
0x4: {  	_ = 	snop  }
0x5: {  	_ = 	snop  }
0x6: {  	_ = 	snop  }
0x7: {  	_ = 	snop  }
__scs_overlays_trampoline_lowered:
0x8: {  	[smem:$0x3FAA] =	sst s0  }
0x9: {  	[smem:$0x3FAB] =	sst s1  }
0xa: {  	[smem:$0x3FAC] =	sst s2  }
0xb: {  	[smem:$0x3FAD] =	sst s3  }
0xc: {  	[smem:$0x3FAE] =	sst s4  }
0xd: {  	[smem:$0x3FAF] =	sst s5  }
0xe: {  	[smem:$0x3FB0] =	sst s6  }
0xf: {  	[smem:$0x3FB1] =	sst s7  }
0x10: {  	[smem:$0x3FB2] =	sst s8  }
0x11: {  	[smem:$0x3FB3] =	sst s9;
	s0 =	simm.s32 @!p0 $0x0  }
0x12: {  	s1 =	sld [smem:$0x3F99];
	s0 =	simm.s32 @p0 $0x1  }
0x13: {  	[smem:$0x3FB4] =	sst s0;
	s0 =	simm.s32 @!p1 $0x0  }
0x14: {  	s2 =	sld [smem:$0x3F98];
	s0 =	simm.s32 @p1 $0x1  }
0x15: {  	[smem:$0x3FB5] =	sst s0;
	s0 =	simm.s32 @!p2 $0x0  }
0x16: {  	s3 =	sld [smem:$0x3FDB];
	s0 =	simm.s32 @p2 $0x1  }
0x17: {  	s4 =	simm.s32 $0x1BF5;
	[smem:$0x3FB7] =	sst s0  }
0x18: {  	s0 =	sld [smem:$0x3F9A];
	_ =	swait.ge [sflag:s4], $0x0  }
0x19: {  	s7 =	sld [smem:$0x3F9B]  }
0x1a: {  	s8 =	sadd.s32 $0xFFFFE003, lr  }
0x1b: {  	s9 =	sadd.s32 $0xFFFFFEF7, lr;
	s5 =	simm.s32 $0xFFFFFFFF;
	p2 =	slt.u32 s8, $0xFFFFF086  }
0x1c: {  	p1 =	slt.u32 s9, $0xF7A;
	s5 =	simm.s32 @!p2 $0x0  }
0x1d: {  	s5 =	simm.s32 @p1 $0x1;
	p0 =	seq.s32 s7, s2  }
0x1e: {  	s7 =	smul.u32 @!p0 $0xF7A, s2;
	p2 =	seq.s32 @!p0 s5, $0x0  }
0x1f: {  	s9 =	smul.u32 $0xF7A, s1;
	s8 =	simm.s32 @!p0 $0x1BF5;
	p2 =	por !p2, p0  }
0x20: {  	[sflag:s8] =	ssyncset.s32 @!p0 $0xFFFFF086;
	s6 =	sadd.s32 @!p0 s3, s7;
	s7 =	simm.s32 @!p0 $0x108  }
0x21: {  	s3 =	sadd.s32 s3, s9;
	s6 =	sadd.s32 @!p0 $0x88, s6;
	s7 =	simm.s32 @p2 $0x1082  }
0x22: {  	[simem:s7], [sflag:s8] =	dma.local @!p0 [hbm:s6], $0xF7A  }
0x23: {  	s9 =	sor.u32 $0xD0000000, s2;
	s6 =	simm.s32 $0x108;
	_ =	swait.ge @!p0 [sflag:s8], $0x0  }
0x24: {  	s3 =	sadd.s32 $0x88, s3;
	s6 =	simm.s32 @!p1 $0x1082;
	[sflag:s4] =	ssyncset.s32 $0xFFFFF086  }
0x25: {  	[simem:s6], [sflag:s4] =	dma.local [hbm:s3], $0xF7A  }
0x26: {  	[smem:$0x3F9B] =	sst s1;
	(tag) =	ssettag s2;
	_ =	strace s9  }
0x27: {  	s1 =	sld [smem:$0x3FAB]  }
0x28: {  	s2 =	sld [smem:$0x3FAC]  }
0x29: {  	s4 =	sld [smem:$0x3FAE]  }
0x2a: {  	p0 =	seq.s32 s5, $0x0;
	s5 =	sld [smem:$0x3FAF]  }
0x2b: {  	s6 =	sld [smem:$0x3FB0]  }
0x2c: {  	s7 =	sld [smem:$0x3FB1]  }
0x2d: {  	s3 =	simm.s32 $0x108;
	s8 =	sld [smem:$0x3FB2]  }
0x2e: {  	s3 =	simm.s32 @!p0 $0x1082;
	s9 =	sld [smem:$0x3FB3]  }
0x2f: {  	lr =	sadd.s32 s0, s3;
	s0 =	sld [smem:$0x3FAA]  }
0x30: {  	s3 =	sld [smem:$0x3FAD]  }
0x31: {  	[smem:$0x3FB6] =	sst s10  }
0x32: {  	s10 =	sld [smem:$0x3FB4];
	_ =	sdelay $0x3  }
0x33: {  	p0 =	seq.s32 s10, $0x1;
	s10 =	sld [smem:$0x3FB6];
	_ =	sdelay $0x3  }
0x34: {  	[smem:$0x3FB6] =	sst s10  }
0x35: {  	s10 =	sld [smem:$0x3FB5];
	_ =	sdelay $0x3  }
0x36: {  	p1 =	seq.s32 s10, $0x1;
	s10 =	sld [smem:$0x3FB6];
	_ =	sdelay $0x3  }
0x37: {  	[smem:$0x3FB6] =	sst s10  }
0x38: {  	s10 =	sld [smem:$0x3FB7]  }
0x39: {  	_ = 	snop;
	(pc) =	sbr.ind lr, $3  }
0x3a: {  	_ = 	snop  }
0x3b: {  	_ = 	snop  }
0x3c: {  	p2 =	seq.s32 s10, $0x1;
	s10 =	sld [smem:$0x3FB6]  }
0x3d: {  	_ =	shalt  }
0x3e: {  	_ =	shalt  }
0x3f: {  	_ =	shalt  }
0x40: {  	_ =	shalt  }
0x41: {  	_ =	shalt  }
0x42: {  	_ =	shalt  }
0x43: {  	_ =	shalt  }
0x44: {  	_ =	shalt  }
0x45: {  	_ =	shalt  }
0x46: {  	_ =	shalt  }
0x47: {  	_ =	shalt  }
0x48: {  	_ =	shalt  }
0x49: {  	_ =	shalt  }
0x4a: {  	_ =	shalt  }
0x4b: {  	_ =	shalt  }
0x4c: {  	_ =	shalt  }
0x4d: {  	_ =	shalt  }
0x4e: {  	_ =	shalt  }
0x4f: {  	_ =	shalt  }
0x50: {  	_ =	shalt  }
0x51: {  	_ =	shalt  }
0x52: {  	_ =	shalt  }
0x53: {  	_ =	shalt  }
0x54: {  	_ =	shalt  }
0x55: {  	_ =	shalt  }
0x56: {  	_ =	shalt  }
0x57: {  	_ =	shalt  }
0x58: {  	_ =	shalt  }
0x59: {  	_ =	shalt  }
0x5a: {  	_ =	shalt  }
0x5b: {  	_ =	shalt  }
0x5c: {  	_ =	shalt  }
0x5d: {  	_ =	shalt  }
0x5e: {  	_ =	shalt  }
0x5f: {  	_ =	shalt  }
0x60: {  	_ =	shalt  }
0x61: {  	_ =	shalt  }
0x62: {  	_ =	shalt  }
0x63: {  	_ =	shalt  }
0x64: {  	_ =	shalt  }
0x65: {  	_ =	shalt  }
0x66: {  	_ =	shalt  }
0x67: {  	_ =	shalt  }
0x68: {  	_ =	shalt  }
0x69: {  	_ =	shalt  }
0x6a: {  	_ =	shalt  }
0x6b: {  	_ =	shalt  }
0x6c: {  	_ =	shalt  }
0x6d: {  	_ =	shalt  }
0x6e: {  	_ =	shalt  }
0x6f: {  	_ =	shalt  }
0x70: {  	_ =	shalt  }
0x71: {  	_ =	shalt  }
0x72: {  	_ =	shalt  }
0x73: {  	_ =	shalt  }
0x74: {  	_ =	shalt  }
0x75: {  	_ =	shalt  }
0x76: {  	_ =	shalt  }
0x77: {  	_ =	shalt  }
0x78: {  	_ =	shalt  }
0x79: {  	_ =	shalt  }
0x7a: {  	_ =	shalt  }
0x7b: {  	_ =	shalt  }
0x7c: {  	_ =	shalt  }
0x7d: {  	_ =	shalt  }
0x7e: {  	_ =	shalt  }
0x7f: {  	_ =	shalt  }
0x80: {  	_ =	shalt  }
0x81: {  	_ =	shalt  }
0x82: {  	_ =	shalt  }
0x83: {  	_ =	shalt  }
0x84: {  	_ =	shalt  }
0x85: {  	_ =	shalt  }
0x86: {  	_ =	shalt  }
0x87: {  	_ =	shalt  }
.Lfunc_end0:
.L_simem_size_0:
called_computation_lowered:
.L_overlay_start_0:
0x88: {  	s2 =	sld [smem:$0x3FD9]  }
0x89: {  	s3 =	sld [smem:$0x3FFE];
	_ =	sdelay $0x1  }
0x8a: {  	s1 =	srdreg.scid  }
0x8b: {  	s0 =	sand.u32 $0x1, s1  }
0x8c: {  	s17 =	sshll.u32 s0, $0xA;
	s2 =	sadd.s32 s3, s2  }
0x8d: {  	s2 =	sadd.s32 s2, s17  }
0x8e: {  	[smem:$0x3FC2] =	sst s2  }
0x8f: {  	_ = 	snop  }
0x90: {  	s2 =	sld [smem:$0x3FC7];
	(tm) =	ssettm $0x1  }
0x91: {  	s18 =	sld [smem:$0x3FFB];
	_ =	sdelay $0x3  }
0x92: {  	_ =	strace s18  }
0x93: {  	s3 =	sld [smem:$0x3FFC];
	_ =	sdelay $0x3  }
0x94: {  	_ =	strace s3  }
0x95: {  	s3 =	sld [smem:$0x3FFD];
	_ =	sdelay $0x3  }
0x96: {  	_ =	strace s3  }
0x97: {  	_ =	strace $0x8FFFFFFF  }
0x98: {  	s19 =	sld [smem:$0x3FDB];
	_ =	sdelay $0x1  }
0x99: {  	s4 =	simm.s32 $_scs_section_size  }
0x9a: {  	s5 =	simm.s32 $_size__tile_overlayer_lowered;
	s6 =	simm.s32 $_tile_overlayer_lowered  }
0x9b: {  	s22 =	simm.s32 $0x1BFF;
	s21 =	sshll.u32 s6, $0x1;
	s3 =	sadd.s32 s4, s19  }
0x9c: {  	s7 =	simm.s32 $0x0;
	s20 =	sshll.u32 s5, $0x1;
	s5 =	sadd.s32 s21, s3  }
0x9d: {  	[timem:s7], [sflag:s22] =	dma.local [hbm:s5], s20  }
0x9e: {  	_ =	swait.ge [sflag:s22], s20  }
0x9f: {  	s4 =	ssub.s32 $0x0, s20;
	[sflag:s22] =	ssyncset.done $0x0  }
0xa0: {  	[sflag:s22] =	ssyncadd.s32 s4;
	_ =	sdelay $0x1  }
0xa1: {  	s23 =	simm.s32 $0x1B8B  }
0xa2: {  	_ =	swait.ge [sflag:s23], $0x1  }
0xa3: {  	[sflag:s23] =	ssyncset.done $0x0  }
0xa4: {  	s25 =	simm.s32 $0x1B8E;
	s24 =	sld [smem:$0x3FFE];
	[sflag:s23] =	ssyncadd.s32 $0xFFFFFFFF  }
0xa5: {  	s26 =	simm.s32 $execute0_lowered;
	[smem:$0x3FD2] =	sst s25  }
0xa6: {  	s5 =	sshll.u32 s26, $0x1;
	_ =	strace $0x80000046;
	[dreg:$0x1] =	wrdreg $0xFFFFFFFF  }
0xa7: {  	s28 =	simm.s32 $_size_execute0_lowered;
	s3 =	sadd.s32 s3, s5;
	[dreg:$0x0] =	wrdreg $0x0  }
0xa8: {  	s5 =	sshll.u32 s28, $0x1;
	[dreg:$0x2] =	wrdreg s3  }
0xa9: {  	[dreg:$0x3] =	wrdreg s5  }
0xaa: {  	[dreg:$0x4] =	wrdreg $0xC0  }
0xab: {  	_ =	task [dreg:s7], $0x5FFFF  }
0xac: {  	[dreg:$0x1] =	wrdreg $0xFFFFFFFF  }
0xad: {  	[dreg:$0x0] =	wrdreg $0x60  }
0xae: {  	[dreg:$0x2] =	wrdreg s24  }
0xaf: {  	[dreg:$0x3] =	wrdreg s2  }
0xb0: {  	[dreg:$0x4] =	wrdreg $0x9  }
0xb1: {  	_ =	task.clear_ibuf [dreg:s7], $0x5FFFF;
	_ =	strace $0x90000046  }
0xb2: {  	s29 =	simm.s32 $0x9;
	_ =	strace $0x80000048  }
0xb3: {  	_ =	swait.ge [sflag:s29], $0x1  }
0xb4: {  	[sflag:s29] =	ssyncadd.s32 $0xFFFFFFFF  }
0xb5: {  	_ =	strace $0x90000048  }
0xb6: {  	_ =	sfence  }
0xb7: {  	s30 =	sld [smem:$0x0];
	_ =	sdelay $0x2  }
0xb8: {  	s31 =	sshll.u32 s1, $0xD;
	s1 =	sshrl.u32 s1, $0x2  }
0xb9: {  	s3 =	sand.u32 $0x4000, s31;
	s1 =	sadd.s32 s1, s30  }
0xba: {  	s0 =	sor.u32 s3, s0;
	s1 =	sshll.u32 s1, $0x11  }
0xbb: {  	s0 =	sor.u32 s1, s0  }
0xbc: {  	s0 =	sadd.s32 $0x8F2B, s0  }
0xbd: {  	[sflag:s0] =	ssyncadd.remote.s32 $0x1  }
0xbe: {  	_ =	sfence.sel $0xFFFF  }
0xbf: {  	[dreg:$0x0] =	wrdreg $0xFFFFFFFF;
	(pc) =	sbr.abs _section_cstart, $3  }
0xc0: {  	[dreg:$0x1] =	wrdreg $0xFFFFFFFF  }
0xc1: {  	_ =	task.clear_ibuf [dreg:s7], $0x2FFFF;
	_ =	strace $0x9FFFFFFF  }
0xc2: {  	(tm) =	ssettm $0x7FFFFFFF  }
0xc3: {  	_ =	shalt  }
tec
execute0_lowered:
.L_overlay_start_1:
0x0: {  	(tag) =	ssettag $0x1  }
0x1: {  	s1 =	srdreg.scid;
	s4 =	rddreg [dreg:$0x0]  }
0x2: {  	s0 =	stileid.u32;
	s6 =	rddreg [dreg:$0x1]  }
0x3: {  	s2 =	simm.s32 $0x0;
	s10 =	simm.s32 $0x80;
	s11 =	simm.s32 $0x400  }
0x4: {  	s12 =	simm.s32 $0x2;
	s13 =	simm.s32 $0x0;
	s3 =	sand.u32 $0x1, s1  }
0x5: {  	s28 =	sshll.u32 s0, $0x1;
	s29 =	sshrl.u32 s0, $0x2;
	s1 =	rddreg [dreg:$0x2]  }
0x6: {  	[smem:$0x7FF] =	sst s2;
	s5 =	sor.u32 s3, s28;
	s7 =	smul.u32 $0x27800, s29  }
0x7: {  	s3 =	ssub.s32 $0x2, s3;
	s8 =	sshll.u32 s5, $0x7;
	s5 =	smul.u32 $0x4E2, s5  }
0x8: {  	_ =	strace $0x80000047;
	s31 =	sshrl.u32 s3, $0x1;
	s8 =	sand.u32 $0x380, s8  }
0x9: {  	s9 =	ssub.s32 s3, s31;
	s7 =	sor.u32 s7, s8;
	s30 =	sadd.s32 s5, s4  }
0xa: {  	s8 =	simm.s32 $0x1;
	s7 =	sshrl.u32 s7, $0x3;
	s3 =	sadd.s32 $0x1200, s30  }
0xb: {  	s7 =	sadd.s32 s7, s4;
	s4 =	sadd.s32 s6, s5;
	s6 =	smax.u32 s9, $0x1  }
0xc: {  	v0 =	vimm.s32 $0x0;
	v1 =	vimm.s32 $0x1;
	s9 =	simm.s32 $0x4F00;
	s5 =	sadd.s32 $0x14C00, s7;
	s7 =	simm.s32 $0x2780  }
.LBB2_1:
0xd: {  	[tilespmem:s2], [sflag:$0x1] =	stream.linear.gather [hbm4b:s3+s2], $0x2710, $0x38;
	[tilespmem:$0x9E00] =	vst v63  }
0xe: {  	s14 =	simm.s32 $0x0;
	s15 =	simm.s32 $0x400  }
0xf: {  	[tilespmem:s7], [sflag:$0x1] =	stream.linear.gather [hbm4b:s4+s2], $0x2710, $0x38;
	[tilespmem:$0x9E00] =	vst v63  }
.LBB2_2:
0x10: {  	p0 =	sne.s32 s15, $0x13800;
	[tilespmem:s14+$0x4FF0] =	vst v0  }
0x11: {  	[tilespmem:s14+$0x4F00] =	vst v0  }
0x12: {  	[tilespmem:s14+$0x4F10] =	vst v0  }
0x13: {  	[tilespmem:s14+$0x4F20] =	vst v0  }
0x14: {  	[tilespmem:s14+$0x4F30] =	vst v0  }
0x15: {  	[tilespmem:s14+$0x4F40] =	vst v0  }
0x16: {  	[tilespmem:s14+$0x4F50] =	vst v0  }
0x17: {  	[tilespmem:s14+$0x4F60] =	vst v0  }
0x18: {  	[tilespmem:s14+$0x4F70] =	vst v0  }
0x19: {  	[tilespmem:s14+$0x4F80] =	vst v0  }
0x1a: {  	[tilespmem:s14+$0x4F90] =	vst v0  }
.Ltmp0:
0x1b: {  	[tilespmem:s14+$0x4FA0] =	vst v0;
	(pc) =	sbr.rel @p0 .LBB2_2-.Ltmp0, $4  }
0x1c: {  	[tilespmem:s14+$0x4FB0] =	vst v0  }
0x1d: {  	[tilespmem:s14+$0x4FC0] =	vst v0  }
0x1e: {  	[tilespmem:s14+$0x4FD0] =	vst v0  }
0x1f: {  	[tilespmem:s14+$0x4FE0] =	vst v0;
	s14 =	sshra.s32 s15, $0x2;
	s15 =	sadd.s32 $0x400, s15  }
0x20: {  	[tilespmem:s14+$0x4FF0] =	vst v0  }
0x21: {  	[tilespmem:s14+$0x4F00] =	vst v0  }
0x22: {  	[tilespmem:s14+$0x4F10] =	vst v0  }
0x23: {  	[tilespmem:s14+$0x4F20] =	vst v0  }
0x24: {  	[tilespmem:s14+$0x4F30] =	vst v0  }
0x25: {  	[tilespmem:s14+$0x4F40] =	vst v0  }
0x26: {  	[tilespmem:s14+$0x4F50] =	vst v0  }
0x27: {  	[tilespmem:s14+$0x4F60] =	vst v0  }
0x28: {  	[tilespmem:s14+$0x4F70] =	vst v0  }
0x29: {  	[tilespmem:s14+$0x4F80] =	vst v0  }
0x2a: {  	[tilespmem:s14+$0x4F90] =	vst v0  }
0x2b: {  	[tilespmem:s14+$0x4FA0] =	vst v0  }
0x2c: {  	[tilespmem:s14+$0x4FB0] =	vst v0  }
0x2d: {  	[tilespmem:s14+$0x4FC0] =	vst v0  }
0x2e: {  	[tilespmem:s14+$0x4FD0] =	vst v0  }
0x2f: {  	[tilespmem:s14+$0x4FE0] =	vst v0  }
0x30: {  	_ =	swait.ge [sflag:s8], $0x2710  }
0x31: {  	[sflag:s8] =	ssyncset.done $0x0  }
0x32: {  	[sflag:s8] =	ssyncadd.s32 $0xFFFFD8F0  }
0x33: {  	_ =	swait.ge [sflag:s8], $0x2710  }
0x34: {  	s14 =	simm.s32 $0x0;
	[sflag:s8] =	ssyncset.done $0x0  }
0x35: {  	s15 =	simm.s32 $0x2840;
	s16 =	simm.s32 $0xC0;
	[sflag:s8] =	ssyncadd.s32 $0xFFFFD8F0  }
.LBB2_4:
0x36: {  	v2 =	vld [tilespmem:s15+$0xFFFFFF40];
	_ =	sdelay $0x2  }
0x37: {  	v3 =	vld [tilespmem:s16+$0xFFFFFF40];
	_ =	sdelay $0x1  }
0x38: {  	v4 =	vshrl.u32 v2, $0x1  }
0x39: {  	v4 =	vmul.u32 $0x2780, v4;
	_ =	sdelay $0x1  }
0x3a: {  	v3 =	vadd.s32 v3, v4;
	_ =	sdelay $0x1  }
0x3b: {  	v2 =	vand.u32 $0x1, v2  }
0x3c: {  	vm0 =	veq.s32 v2, $0x1  }
0x3d: {  	v2 =	vsel vm0, $0x10000, v1  }
0x3e: {  	[tilespmem:v3+s9+$0x0] =	vst.idx.add.s32.msk $0xffff, v2  }
0x3f: {  	v2 =	vld [tilespmem:s15+$0xFFFFFF50];
	_ =	sdelay $0x2  }
0x40: {  	v3 =	vld [tilespmem:s16+$0xFFFFFF50];
	_ =	sdelay $0x1  }
0x41: {  	v40 =	vshrl.u32 v2, $0x1  }
0x42: {  	v4 =	vmul.u32 $0x2780, v40;
	_ =	sdelay $0x1  }
0x43: {  	v3 =	vadd.s32 v3, v4;
	_ =	sdelay $0x1  }
0x44: {  	v2 =	vand.u32 $0x1, v2  }
0x45: {  	vm4 =	veq.s32 v2, $0x1  }
0x46: {  	v2 =	vsel vm4, $0x10000, v1  }
0x47: {  	[tilespmem:v3+s9+$0x0] =	vst.idx.add.s32.msk $0xffff, v2  }
0x48: {  	v2 =	vld [tilespmem:s15+$0xFFFFFF60];
	_ =	sdelay $0x2  }
0x49: {  	v3 =	vld [tilespmem:s16+$0xFFFFFF60];
	_ =	sdelay $0x1  }
0x4a: {  	v41 =	vshrl.u32 v2, $0x1  }
0x4b: {  	v4 =	vmul.u32 $0x2780, v41;
	_ =	sdelay $0x1  }
0x4c: {  	v3 =	vadd.s32 v3, v4;
	_ =	sdelay $0x1  }
0x4d: {  	v2 =	vand.u32 $0x1, v2  }
0x4e: {  	vm5 =	veq.s32 v2, $0x1  }
0x4f: {  	v2 =	vsel vm5, $0x10000, v1  }
0x50: {  	[tilespmem:v3+s9+$0x0] =	vst.idx.add.s32.msk $0xffff, v2  }
0x51: {  	v2 =	vld [tilespmem:s15+$0xFFFFFF70];
	_ =	sdelay $0x2  }
0x52: {  	v3 =	vld [tilespmem:s16+$0xFFFFFF70];
	_ =	sdelay $0x1  }
0x53: {  	v42 =	vshrl.u32 v2, $0x1  }
0x54: {  	v4 =	vmul.u32 $0x2780, v42;
	_ =	sdelay $0x1  }
0x55: {  	v3 =	vadd.s32 v3, v4;
	_ =	sdelay $0x1  }
0x56: {  	v2 =	vand.u32 $0x1, v2  }
0x57: {  	vm6 =	veq.s32 v2, $0x1  }
0x58: {  	v2 =	vsel vm6, $0x10000, v1  }
0x59: {  	[tilespmem:v3+s9+$0x0] =	vst.idx.add.s32.msk $0xffff, v2  }
0x5a: {  	v2 =	vld [tilespmem:s15+$0xFFFFFF80];
	_ =	sdelay $0x2  }
0x5b: {  	v3 =	vld [tilespmem:s16+$0xFFFFFF80];
	_ =	sdelay $0x1  }
0x5c: {  	v43 =	vshrl.u32 v2, $0x1  }
0x5d: {  	v4 =	vmul.u32 $0x2780, v43;
	_ =	sdelay $0x1  }
0x5e: {  	v3 =	vadd.s32 v3, v4;
	_ =	sdelay $0x1  }
0x5f: {  	v2 =	vand.u32 $0x1, v2  }
0x60: {  	vm7 =	veq.s32 v2, $0x1  }
0x61: {  	v2 =	vsel vm7, $0x10000, v1  }
0x62: {  	[tilespmem:v3+s9+$0x0] =	vst.idx.add.s32.msk $0xffff, v2  }
0x63: {  	v2 =	vld [tilespmem:s15+$0xFFFFFF90];
	_ =	sdelay $0x2  }
0x64: {  	v3 =	vld [tilespmem:s16+$0xFFFFFF90];
	_ =	sdelay $0x1  }
0x65: {  	v44 =	vshrl.u32 v2, $0x1  }
0x66: {  	v4 =	vmul.u32 $0x2780, v44;
	_ =	sdelay $0x1  }
0x67: {  	v3 =	vadd.s32 v3, v4;
	_ =	sdelay $0x1  }
0x68: {  	v2 =	vand.u32 $0x1, v2  }
0x69: {  	vm8 =	veq.s32 v2, $0x1  }
0x6a: {  	v2 =	vsel vm8, $0x10000, v1  }
0x6b: {  	[tilespmem:v3+s9+$0x0] =	vst.idx.add.s32.msk $0xffff, v2  }
0x6c: {  	v2 =	vld [tilespmem:s15+$0xFFFFFFA0];
	_ =	sdelay $0x2  }
0x6d: {  	v3 =	vld [tilespmem:s16+$0xFFFFFFA0];
	_ =	sdelay $0x1  }
0x6e: {  	v45 =	vshrl.u32 v2, $0x1  }
0x6f: {  	v4 =	vmul.u32 $0x2780, v45;
	_ =	sdelay $0x1  }
0x70: {  	v3 =	vadd.s32 v3, v4;
	_ =	sdelay $0x1  }
0x71: {  	v2 =	vand.u32 $0x1, v2  }
0x72: {  	vm9 =	veq.s32 v2, $0x1  }
0x73: {  	v2 =	vsel vm9, $0x10000, v1  }
0x74: {  	[tilespmem:v3+s9+$0x0] =	vst.idx.add.s32.msk $0xffff, v2  }
0x75: {  	v2 =	vld [tilespmem:s15+$0xFFFFFFB0];
	_ =	sdelay $0x2  }
0x76: {  	v3 =	vld [tilespmem:s16+$0xFFFFFFB0];
	_ =	sdelay $0x1  }
0x77: {  	v46 =	vshrl.u32 v2, $0x1  }
0x78: {  	v4 =	vmul.u32 $0x2780, v46;
	_ =	sdelay $0x1  }
0x79: {  	v3 =	vadd.s32 v3, v4;
	_ =	sdelay $0x1  }
0x7a: {  	v2 =	vand.u32 $0x1, v2  }
0x7b: {  	vm10 =	veq.s32 v2, $0x1  }
0x7c: {  	v2 =	vsel vm10, $0x10000, v1  }
0x7d: {  	s17 =	sand.u32 $0x3FF0, s14;
	[tilespmem:v3+s9+$0x0] =	vst.idx.add.s32.msk $0xffff, v2  }
0x7e: {  	v2 =	vld [tilespmem:s17+$0x2800];
	_ =	sdelay $0x2  }
0x7f: {  	v3 =	vld [tilespmem:s17+$0x80];
	_ =	sdelay $0x1  }
0x80: {  	v47 =	vshrl.u32 v2, $0x1  }
0x81: {  	v4 =	vmul.u32 $0x2780, v47;
	_ =	sdelay $0x1  }
0x82: {  	v3 =	vadd.s32 v3, v4;
	_ =	sdelay $0x1  }
0x83: {  	v2 =	vand.u32 $0x1, v2  }
0x84: {  	vm11 =	veq.s32 v2, $0x1  }
0x85: {  	v2 =	vsel vm11, $0x10000, v1  }
0x86: {  	[tilespmem:v3+s9+$0x0] =	vst.idx.add.s32.msk $0xffff, v2  }
0x87: {  	v2 =	vld [tilespmem:s15+$0xFFFFFFD0];
	_ =	sdelay $0x2  }
0x88: {  	v3 =	vld [tilespmem:s16+$0xFFFFFFD0];
	_ =	sdelay $0x1  }
0x89: {  	v48 =	vshrl.u32 v2, $0x1  }
0x8a: {  	v4 =	vmul.u32 $0x2780, v48;
	_ =	sdelay $0x1  }
0x8b: {  	v3 =	vadd.s32 v3, v4;
	_ =	sdelay $0x1  }
0x8c: {  	v2 =	vand.u32 $0x1, v2  }
0x8d: {  	vm12 =	veq.s32 v2, $0x1  }
0x8e: {  	v2 =	vsel vm12, $0x10000, v1  }
0x8f: {  	[tilespmem:v3+s9+$0x0] =	vst.idx.add.s32.msk $0xffff, v2  }
0x90: {  	v2 =	vld [tilespmem:s15+$0xFFFFFFE0];
	_ =	sdelay $0x2  }
0x91: {  	v3 =	vld [tilespmem:s16+$0xFFFFFFE0];
	_ =	sdelay $0x1  }
0x92: {  	v49 =	vshrl.u32 v2, $0x1  }
0x93: {  	v4 =	vmul.u32 $0x2780, v49;
	_ =	sdelay $0x1  }
0x94: {  	v3 =	vadd.s32 v3, v4;
	_ =	sdelay $0x1  }
0x95: {  	v2 =	vand.u32 $0x1, v2  }
0x96: {  	vm13 =	veq.s32 v2, $0x1  }
0x97: {  	v2 =	vsel vm13, $0x10000, v1  }
0x98: {  	[tilespmem:v3+s9+$0x0] =	vst.idx.add.s32.msk $0xffff, v2  }
0x99: {  	v2 =	vld [tilespmem:s15+$0xFFFFFFF0];
	_ =	sdelay $0x2  }
0x9a: {  	v3 =	vld [tilespmem:s16+$0xFFFFFFF0];
	_ =	sdelay $0x1  }
0x9b: {  	v50 =	vshrl.u32 v2, $0x1  }
0x9c: {  	v4 =	vmul.u32 $0x2780, v50;
	_ =	sdelay $0x1  }
0x9d: {  	v3 =	vadd.s32 v3, v4;
	_ =	sdelay $0x1  }
0x9e: {  	v2 =	vand.u32 $0x1, v2  }
0x9f: {  	vm14 =	veq.s32 v2, $0x1  }
0xa0: {  	v2 =	vsel vm14, $0x10000, v1  }
0xa1: {  	[tilespmem:v3+s9+$0x0] =	vst.idx.add.s32.msk $0xffff, v2  }
0xa2: {  	v2 =	vld [tilespmem:s15+$0x0];
	_ =	sdelay $0x2  }
0xa3: {  	v3 =	vld [tilespmem:s16+$0x0];
	_ =	sdelay $0x1  }
0xa4: {  	v51 =	vshrl.u32 v2, $0x1  }
0xa5: {  	v4 =	vmul.u32 $0x2780, v51;
	_ =	sdelay $0x1  }
0xa6: {  	v3 =	vadd.s32 v3, v4;
	_ =	sdelay $0x1  }
0xa7: {  	v2 =	vand.u32 $0x1, v2  }
0xa8: {  	vm15 =	veq.s32 v2, $0x1  }
0xa9: {  	v2 =	vsel vm15, $0x10000, v1  }
0xaa: {  	[tilespmem:v3+s9+$0x0] =	vst.idx.add.s32.msk $0xffff, v2  }
0xab: {  	v2 =	vld [tilespmem:s15+$0x10];
	_ =	sdelay $0x2  }
0xac: {  	v3 =	vld [tilespmem:s16+$0x10];
	_ =	sdelay $0x1  }
0xad: {  	v52 =	vshrl.u32 v2, $0x1  }
0xae: {  	v4 =	vmul.u32 $0x2780, v52;
	_ =	sdelay $0x1  }
0xaf: {  	v3 =	vadd.s32 v3, v4;
	_ =	sdelay $0x1  }
0xb0: {  	v2 =	vand.u32 $0x1, v2  }
0xb1: {  	vm4 =	veq.s32 v2, $0x1  }
0xb2: {  	v2 =	vsel vm4, $0x10000, v1  }
0xb3: {  	[tilespmem:v3+s9+$0x0] =	vst.idx.add.s32.msk $0xffff, v2  }
0xb4: {  	v2 =	vld [tilespmem:s15+$0x20];
	_ =	sdelay $0x2  }
0xb5: {  	v3 =	vld [tilespmem:s16+$0x20];
	_ =	sdelay $0x1  }
0xb6: {  	v53 =	vshrl.u32 v2, $0x1  }
0xb7: {  	v4 =	vmul.u32 $0x2780, v53;
	_ =	sdelay $0x1  }
0xb8: {  	v3 =	vadd.s32 v3, v4;
	_ =	sdelay $0x1  }
0xb9: {  	v2 =	vand.u32 $0x1, v2  }
0xba: {  	vm5 =	veq.s32 v2, $0x1  }
0xbb: {  	v2 =	vsel vm5, $0x10000, v1  }
0xbc: {  	[tilespmem:v3+s9+$0x0] =	vst.idx.add.s32.msk $0xffff, v2  }
0xbd: {  	v2 =	vld [tilespmem:s15+$0x30];
	_ =	sdelay $0x2  }
0xbe: {  	v3 =	vld [tilespmem:s16+$0x30];
	_ =	sdelay $0x1  }
0xbf: {  	v54 =	vshrl.u32 v2, $0x1  }
0xc0: {  	v4 =	vmul.u32 $0x2780, v54;
	_ =	sdelay $0x1  }
0xc1: {  	v3 =	vadd.s32 v3, v4;
	_ =	sdelay $0x1  }
0xc2: {  	v2 =	vand.u32 $0x1, v2  }
0xc3: {  	vm6 =	veq.s32 v2, $0x1  }
0xc4: {  	v2 =	vsel vm6, $0x10000, v1  }
0xc5: {  	[tilespmem:v3+s9+$0x0] =	vst.idx.add.s32.msk $0xffff, v2  }
0xc6: {  	v2 =	vld [tilespmem:s17+$0x2880];
	_ =	sdelay $0x2  }
0xc7: {  	v3 =	vld [tilespmem:s17+$0x100];
	_ =	sdelay $0x1  }
0xc8: {  	v55 =	vshrl.u32 v2, $0x1  }
0xc9: {  	v4 =	vmul.u32 $0x2780, v55;
	_ =	sdelay $0x1  }
0xca: {  	v3 =	vadd.s32 v3, v4;
	_ =	sdelay $0x1  }
0xcb: {  	v2 =	vand.u32 $0x1, v2  }
0xcc: {  	vm7 =	veq.s32 v2, $0x1  }
0xcd: {  	v2 =	vsel vm7, $0x10000, v1  }
0xce: {  	[tilespmem:v3+s9+$0x0] =	vst.idx.add.s32.msk $0xffff, v2  }
0xcf: {  	v2 =	vld [tilespmem:s15+$0x50];
	_ =	sdelay $0x2  }
0xd0: {  	v3 =	vld [tilespmem:s16+$0x50];
	_ =	sdelay $0x1  }
0xd1: {  	v56 =	vshrl.u32 v2, $0x1  }
0xd2: {  	v4 =	vmul.u32 $0x2780, v56;
	_ =	sdelay $0x1  }
0xd3: {  	v3 =	vadd.s32 v3, v4;
	_ =	sdelay $0x1  }
0xd4: {  	v2 =	vand.u32 $0x1, v2  }
0xd5: {  	vm8 =	veq.s32 v2, $0x1  }
0xd6: {  	v2 =	vsel vm8, $0x10000, v1  }
0xd7: {  	[tilespmem:v3+s9+$0x0] =	vst.idx.add.s32.msk $0xffff, v2  }
0xd8: {  	v2 =	vld [tilespmem:s15+$0x60];
	_ =	sdelay $0x2  }
0xd9: {  	v3 =	vld [tilespmem:s16+$0x60];
	_ =	sdelay $0x1  }
0xda: {  	v57 =	vshrl.u32 v2, $0x1  }
0xdb: {  	v4 =	vmul.u32 $0x2780, v57;
	_ =	sdelay $0x1  }
0xdc: {  	v3 =	vadd.s32 v3, v4;
	_ =	sdelay $0x1  }
0xdd: {  	v2 =	vand.u32 $0x1, v2  }
0xde: {  	vm9 =	veq.s32 v2, $0x1  }
0xdf: {  	v2 =	vsel vm9, $0x10000, v1  }
0xe0: {  	[tilespmem:v3+s9+$0x0] =	vst.idx.add.s32.msk $0xffff, v2  }
0xe1: {  	v2 =	vld [tilespmem:s15+$0x70];
	_ =	sdelay $0x2  }
0xe2: {  	v3 =	vld [tilespmem:s16+$0x70];
	_ =	sdelay $0x1  }
0xe3: {  	v58 =	vshrl.u32 v2, $0x1  }
0xe4: {  	v4 =	vmul.u32 $0x2780, v58;
	_ =	sdelay $0x1  }
0xe5: {  	v3 =	vadd.s32 v3, v4;
	_ =	sdelay $0x1  }
0xe6: {  	v2 =	vand.u32 $0x1, v2  }
0xe7: {  	vm10 =	veq.s32 v2, $0x1  }
0xe8: {  	v2 =	vsel vm10, $0x10000, v1  }
0xe9: {  	[tilespmem:v3+s9+$0x0] =	vst.idx.add.s32.msk $0xffff, v2  }
0xea: {  	v2 =	vld [tilespmem:s15+$0x80];
	_ =	sdelay $0x2  }
0xeb: {  	v3 =	vld [tilespmem:s16+$0x80];
	_ =	sdelay $0x1  }
0xec: {  	v59 =	vshrl.u32 v2, $0x1  }
0xed: {  	v4 =	vmul.u32 $0x2780, v59;
	_ =	sdelay $0x1  }
0xee: {  	v3 =	vadd.s32 v3, v4;
	_ =	sdelay $0x1  }
0xef: {  	v2 =	vand.u32 $0x1, v2  }
0xf0: {  	vm11 =	veq.s32 v2, $0x1  }
0xf1: {  	v2 =	vsel vm11, $0x10000, v1  }
0xf2: {  	[tilespmem:v3+s9+$0x0] =	vst.idx.add.s32.msk $0xffff, v2  }
0xf3: {  	v2 =	vld [tilespmem:s15+$0x90];
	_ =	sdelay $0x2  }
0xf4: {  	v3 =	vld [tilespmem:s16+$0x90];
	_ =	sdelay $0x1  }
0xf5: {  	v60 =	vshrl.u32 v2, $0x1  }
0xf6: {  	v4 =	vmul.u32 $0x2780, v60;
	_ =	sdelay $0x1  }
0xf7: {  	v3 =	vadd.s32 v3, v4;
	_ =	sdelay $0x1  }
0xf8: {  	v2 =	vand.u32 $0x1, v2  }
0xf9: {  	vm12 =	veq.s32 v2, $0x1  }
0xfa: {  	v2 =	vsel vm12, $0x10000, v1  }
0xfb: {  	[tilespmem:v3+s9+$0x0] =	vst.idx.add.s32.msk $0xffff, v2  }
0xfc: {  	v2 =	vld [tilespmem:s15+$0xA0];
	_ =	sdelay $0x2  }
0xfd: {  	v3 =	vld [tilespmem:s16+$0xA0];
	_ =	sdelay $0x1  }
0xfe: {  	v61 =	vshrl.u32 v2, $0x1  }
0xff: {  	v4 =	vmul.u32 $0x2780, v61;
	_ =	sdelay $0x1  }
0x100: {  	v3 =	vadd.s32 v3, v4;
	_ =	sdelay $0x1  }
0x101: {  	v2 =	vand.u32 $0x1, v2  }
0x102: {  	vm13 =	veq.s32 v2, $0x1  }
0x103: {  	v2 =	vsel vm13, $0x10000, v1  }
0x104: {  	[tilespmem:v3+s9+$0x0] =	vst.idx.add.s32.msk $0xffff, v2  }
0x105: {  	v2 =	vld [tilespmem:s15+$0xB0];
	_ =	sdelay $0x2  }
0x106: {  	v3 =	vld [tilespmem:s16+$0xB0];
	_ =	sdelay $0x1  }
0x107: {  	v62 =	vshrl.u32 v2, $0x1  }
0x108: {  	v4 =	vmul.u32 $0x2780, v62;
	_ =	sdelay $0x1  }
0x109: {  	v3 =	vadd.s32 v3, v4;
	_ =	sdelay $0x1  }
0x10a: {  	v2 =	vand.u32 $0x1, v2  }
0x10b: {  	vm14 =	veq.s32 v2, $0x1  }
0x10c: {  	v2 =	vsel vm14, $0x10000, v1  }
0x10d: {  	[tilespmem:v3+s9+$0x0] =	vst.idx.add.s32.msk $0xffff, v2  }
0x10e: {  	v2 =	vld [tilespmem:s17+$0x2900];
	_ =	sdelay $0x2  }
0x10f: {  	v3 =	vld [tilespmem:s17+$0x180];
	_ =	sdelay $0x1  }
0x110: {  	v63 =	vshrl.u32 v2, $0x1  }
0x111: {  	v4 =	vmul.u32 $0x2780, v63;
	_ =	sdelay $0x1  }
0x112: {  	p0 =	sne.s32 s14, $0x2580;
	v3 =	vadd.s32 v3, v4  }
.Ltmp1:
0x113: {  	_ = 	snop;
	(pc) =	sbr.rel @p0 .LBB2_4-.Ltmp1, $4  }
0x114: {  	v2 =	vand.u32 $0x1, v2  }
0x115: {  	vm15 =	veq.s32 v2, $0x1  }
0x116: {  	v2 =	vsel vm15, $0x10000, v1  }
0x117: {  	s14 =	sadd.s32 $0x190, s14;
	s15 =	sadd.s32 $0x190, s15;
	s16 =	sadd.s32 $0x190, s16;
	[tilespmem:v3+s9+$0x0] =	vst.idx.add.s32.msk $0xffff, v2  }
0x118: {  	s13 =	sadd.s32 $0x1, s13  }
0x119: {  	p0 =	sne.s32 s13, s6  }
.Ltmp2:
0x11a: {  	_ = 	snop;
	(pc) =	sbr.rel @p0 .LBB2_1-.Ltmp2, $4  }
0x11b: {  	[hbm4b:s5+s10] =	stream.strided.scatter [tilespmem:s9], [sflag:$0x2], $0x4F00, s11, s10, $0x38;
	[tilespmem:$0x9E00] =	vst v63  }
0x11c: {  	_ =	swait.ge [sflag:s12], $0x4F00  }
0x11d: {  	[sflag:s12] =	ssyncset.done $0x0  }
0x11e: {  	[sflag:s12] =	ssyncadd.s32 $0xFFFFB100  }
0x11f: {  	_ =	sfence.sel $0x180000  }
0x120: {  	[bflag:$0x0] =	sbarrier.arrive $0xFFFF  }
0x121: {  	p0 =	sne.s32 s0, $0x0;
	_ =	strace $0x90000047  }
0x122: {  	s0 =	sadd.s32 @!p0 $0x100000, s1;
	[bflag:$0x2] =	sbarrier.arrive $0xFFFF  }
0x123: {  	[sflag:s0] =	ssyncadd.tile.s32 @!p0 $0x1;
	_ =	shalt  }
.Lfunc_end2:
_tile_overlayer_lowered:
.L_overlay_start_2:
0x124: {  	(tag) =	ssettag $0x2  }
0x125: {  	s0 =	rddreg [dreg:$0x0];
	s2 =	stileid.u32  }
0x126: {  	s1 =	rddreg [dreg:$0x1];
	p0 =	sne.s32 s2, $0x0  }
0x127: {  	s3 =	rddreg [dreg:$0x2];
	[bflag:$0x3] =	sbarrier.arrive $0xFFFF;
	s2 =	simm.s32 @!p0 $0x1C02  }
0x128: {  	[timem:s3], [sflag:s2] =	dma.local @!p0 [hbm:s0], s1  }
0x129: {  	s0 =	simm.s32 @!p0 $0x2  }
0x12a: {  	_ =	swait.ge @!p0 [sflag:s0], s1  }
0x12b: {  	s1 =	ssub.s32 @!p0 $0x0, s1;
	[sflag:s0] =	ssyncset.done @!p0 $0x0  }
0x12c: {  	[sflag:s0] =	ssyncadd.s32 @!p0 s1  }
0x12d: {  	[bflag:$0x3] =	sbarrier.arrive $0xFFFF  }
0x12e: {  	_ =	shalt  }

</sc_bundles>
